<compile_context>
chip_gen: v7x
topology: tpu7x:2x2x1
jax: 0.10.2.dev20260603
libtpu: 0.0.44.dev20260713+nightly
codegen_flags: <defaults>
</compile_context>

<pallas_src>
import jax
import jax.numpy as jnp
from jax import lax
from jax.experimental import pallas as pl
from jax.experimental.pallas import tpu as pltpu
from jax.experimental.pallas import tpu_sc as plsc

_ROW = 128
_V = 16


def _sc_degree(dst1d, zeros_n, *, n_acc, epw, nc, ns):
    chunks = epw // _ROW

    def body(dst_hbm, zeros_hbm, out_hbm, dst_v, priv):
        cid = lax.axis_index("c")
        sid = lax.axis_index("s")
        wid = cid * ns + sid
        pltpu.sync_copy(zeros_hbm, priv)
        e0 = wid * epw
        ones = jnp.full((_V,), 1.0, jnp.float32)

        def chunk(i, carry):
            pltpu.sync_copy(dst_hbm.at[pl.ds(e0 + i * _ROW, _ROW)], dst_v)
            for j in range(_ROW // _V):
                ivec = dst_v[pl.ds(j * _V, _V)]
                plsc.addupdate_scatter(priv, [ivec], ones)
            return carry

        lax.fori_loop(0, chunks, chunk, 0)
        pltpu.sync_copy(priv, out_hbm.at[pl.ds(wid * n_acc, n_acc)])

    return pl.kernel(
        body,
        out_type=jax.ShapeDtypeStruct((2 * ns * n_acc,), jnp.float32),
        mesh=plsc.VectorSubcoreMesh(core_axis_name="c", subcore_axis_name="s"),
        compiler_params=pltpu.CompilerParams(needs_layout_passes=False),
        scratch_types=[
            pltpu.VMEM((_ROW,), jnp.int32),
            pltpu.VMEM((n_acc,), jnp.float32),
        ],
    )(dst1d, zeros_n)


def _sc_segsum(xws, src1d, dst1d, zerosnd, *, n_acc, d, epw0, epw1, nc, ns):
    zrows = n_acc // ns

    assert epw0 % (2 * _ROW) == 0 and epw1 % (2 * _ROW) == 0

    def body(xws_hbm, src_hbm, dst_hbm, zeros_hbm, out_hbm,
             src_v0, dst_v0, rows_v0, src_v1, dst_v1, rows_v1,
             acc_sh, sem0, sem1):
        cid = lax.axis_index("c")
        sid = lax.axis_index("s")
        pltpu.sync_copy(zeros_hbm.at[pl.ds(sid * zrows, zrows)],
                        acc_sh.at[pl.ds(sid * zrows, zrows)])
        plsc.subcore_barrier()
        e0 = jnp.where(cid == 0, sid * epw0, ns * epw0 + sid * epw1)
        chunks = jnp.where(cid == 0, epw0 // _ROW, epw1 // _ROW)

        pltpu.sync_copy(src_hbm.at[pl.ds(e0, _ROW)], src_v0)
        pltpu.sync_copy(dst_hbm.at[pl.ds(e0, _ROW)], dst_v0)
        pltpu.async_copy(xws_hbm.at[src_v0], rows_v0, sem0)

        def pair(o, carry):
            i0 = o * 2
            pltpu.sync_copy(src_hbm.at[pl.ds(e0 + (i0 + 1) * _ROW, _ROW)],
                            src_v1)
            pltpu.sync_copy(dst_hbm.at[pl.ds(e0 + (i0 + 1) * _ROW, _ROW)],
                            dst_v1)
            pltpu.async_copy(xws_hbm.at[src_v1], rows_v1, sem1)
            pltpu.make_async_copy(xws_hbm.at[src_v0], rows_v0, sem0).wait()
            pltpu.sync_copy(rows_v0, acc_sh.at[dst_v0], add=True)

            @pl.when(i0 + 2 < chunks)
            def _():
                pltpu.sync_copy(
                    src_hbm.at[pl.ds(e0 + (i0 + 2) * _ROW, _ROW)], src_v0)
                pltpu.sync_copy(
                    dst_hbm.at[pl.ds(e0 + (i0 + 2) * _ROW, _ROW)], dst_v0)
                pltpu.async_copy(xws_hbm.at[src_v0], rows_v0, sem0)

            pltpu.make_async_copy(xws_hbm.at[src_v1], rows_v1, sem1).wait()
            pltpu.sync_copy(rows_v1, acc_sh.at[dst_v1], add=True)
            return carry

        lax.fori_loop(0, chunks // 2, pair, 0, unroll=False)
        plsc.subcore_barrier()
        pltpu.sync_copy(acc_sh.at[pl.ds(sid * zrows, zrows)],
                        out_hbm.at[pl.ds(cid * n_acc + sid * zrows, zrows)])

    return pl.kernel(
        body,
        out_type=jax.ShapeDtypeStruct((2 * n_acc, d), jnp.float32),
        mesh=plsc.VectorSubcoreMesh(core_axis_name="c", subcore_axis_name="s"),
        scratch_types=[
            pltpu.VMEM((_ROW,), jnp.int32),
            pltpu.VMEM((_ROW,), jnp.int32),
            pltpu.VMEM((_ROW, d), jnp.float32),
            pltpu.VMEM((_ROW,), jnp.int32),
            pltpu.VMEM((_ROW,), jnp.int32),
            pltpu.VMEM((_ROW, d), jnp.float32),
            pltpu.VMEM_SHARED((n_acc, d), jnp.float32),
            pltpu.SemaphoreType.DMA,
            pltpu.SemaphoreType.DMA,
        ],
    )(xws, src1d, dst1d, zerosnd)


def _tc_xws_body(x_ref, w_ref, dg_ref, xws_ref, dinv_ref):
    deg = jnp.sum(dg_ref[...], axis=1, keepdims=True) + 1.0
    dinv = lax.rsqrt(deg)
    xw = jnp.dot(x_ref[...], w_ref[...], preferred_element_type=jnp.float32)
    xws_ref[...] = xw * dinv
    dinv_ref[...] = dinv


def _tc_final_body(a0_ref, a1_ref, xws_ref, dinv_ref, b_ref, out1_ref, h_ref):
    h = dinv_ref[...] * (a0_ref[...] + a1_ref[...] + xws_ref[...]) + b_ref[...]
    m = jnp.max(h, axis=1, keepdims=True)
    lse = jnp.log(jnp.sum(jnp.exp(h - m), axis=1, keepdims=True)) + m
    out1_ref[...] = h - lse
    h_ref[...] = h


def kernel(x, edge_index, W, b):
    n, d_in = x.shape
    d = W.shape[1]
    e = edge_index.shape[1]
    info = plsc.get_sparse_core_info()
    nc, ns = info.num_cores, info.num_subcores
    nw = nc * ns

    step = 2 * _ROW
    epw = -(-e // (nw * step)) * step
    e_pad = epw * nw
    src = edge_index[0].astype(jnp.int32)
    dst = edge_index[1].astype(jnp.int32)
    pad = e_pad - e
    n_acc = -(-(n + 1) // 128) * 128
    if pad:
        src = jnp.concatenate([src, jnp.zeros((pad,), jnp.int32)])
        dummy = n + (jnp.arange(pad, dtype=jnp.int32) % (n_acc - n))
        dst = jnp.concatenate([dst, dummy])

    deg_out = _sc_degree(
        dst, jnp.zeros((n_acc,), jnp.float32),
        n_acc=n_acc, epw=epw, nc=nc, ns=ns)
    degt = deg_out.reshape(nw, n_acc)[:, :n].T

    bn = 1000
    grid = (n // bn,)
    xws, dinv = pl.pallas_call(
        _tc_xws_body,
        grid=grid,
        in_specs=[
            pl.BlockSpec((bn, d_in), lambda i: (i, 0)),
            pl.BlockSpec((d_in, d), lambda i: (0, 0)),
            pl.BlockSpec((bn, nw), lambda i: (i, 0)),
        ],
        out_specs=[pl.BlockSpec((bn, d), lambda i: (i, 0)),
                   pl.BlockSpec((bn, 1), lambda i: (i, 0))],
        out_shape=[jax.ShapeDtypeStruct((n, d), jnp.float32),
                   jax.ShapeDtypeStruct((n, 1), jnp.float32)],
    )(x, W, degt)

    per_core = epw * 2
    epw1 = (per_core * 3 // 8) // (2 * _ROW) * (2 * _ROW)
    epw0 = per_core - epw1
    accp = _sc_segsum(
        xws, src, dst,
        jnp.zeros((n_acc, d), jnp.float32),
        n_acc=n_acc, d=d, epw0=epw0, epw1=epw1, nc=nc, ns=ns)

    out1, h = pl.pallas_call(
        _tc_final_body,
        grid=grid,
        in_specs=[
            pl.BlockSpec((bn, d), lambda i: (i, 0)),
            pl.BlockSpec((bn, d), lambda i: (i, 0)),
            pl.BlockSpec((bn, d), lambda i: (i, 0)),
            pl.BlockSpec((bn, 1), lambda i: (i, 0)),
            pl.BlockSpec((1, d), lambda i: (0, 0)),
        ],
        out_specs=[pl.BlockSpec((bn, d), lambda i: (i, 0)),
                   pl.BlockSpec((bn, d), lambda i: (i, 0))],
        out_shape=[jax.ShapeDtypeStruct((n, d), jnp.float32),
                   jax.ShapeDtypeStruct((n, d), jnp.float32)],
    )(accp[:n], accp[n_acc:n_acc + n], xws, dinv, b.reshape(1, d))

    return (out1, h)

# --- scband reference (transcript-rebuilt; emitter-appended) ---
"""Pipeline reference for scband-gcn-1967095021809 (READ-ONLY COPY).

The authoritative reference and input builder live on the scoring server;
editing this copy changes nothing except your own understanding.
"""

import jax, jax.numpy as jnp
import numpy as np

N = 10000
E = 320000
D_IN = 128
D_OUT = 128


def setup_inputs(seed: int = 0) -> dict:
    key = jax.random.key(seed)
    k1, k2, k3 = jax.random.split(key, 3)
    x = jax.random.normal(k1, (N, D_IN), dtype=jnp.float32)
    edge_index = jax.random.randint(k2, (2, E), 0, N, dtype=jnp.int32).astype(jnp.int64)
    # GCNConv learned parameters (glorot weight, zero bias)
    W = jax.random.normal(k3, (D_IN, D_OUT), dtype=jnp.float32) * (1.0 / np.sqrt(D_IN))
    b = jnp.zeros((D_OUT,), dtype=jnp.float32)
    return {"x": x, "edge_index": edge_index, "W": W, "b": b}


def gcn_conv(x, edge_index, W, b):
    # Faithful PyG GCNConv: linear transform, add self-loops, symmetric norm, scatter-add aggregate
    n = x.shape[0]
    loop = jnp.arange(n, dtype=edge_index.dtype)
    src = jnp.concatenate([edge_index[0], loop])
    dst = jnp.concatenate([edge_index[1], loop])
    # degree over destination nodes (edge weight = 1)
    deg = jnp.zeros((n,), dtype=x.dtype).at[dst].add(1.0)
    deg_inv_sqrt = jnp.where(deg > 0, 1.0 / jnp.sqrt(deg), 0.0)
    norm = deg_inv_sqrt[src] * deg_inv_sqrt[dst]
    xw = x @ W
    msg = jnp.take(xw, src, axis=0) * norm[:, None]
    out = jnp.zeros((n, xw.shape[1]), dtype=x.dtype).at[dst].add(msg)
    return out + b


def reference(x, edge_index, W, b):
    h = gcn_conv(x, edge_index, W, b)
    # feature_type == 'discrete' branch: return (log_softmax(x), x)
    return (jax.nn.log_softmax(h, axis=1), h)

if __name__ == "__main__":
    import jax
    _d = setup_inputs()
    print(jax.jit(kernel)(*tuple(_d.values())))

</pallas_src>

<mosaic_0001>
#map = affine_map<(d0, d1) -> (0)>
module attributes {stable_mosaic.version = 14 : i64} {
  func.func @body(%arg0: i32, %arg1: i32, %arg2: memref<327680xi32, #tpu.memory_space<hbm>>, %arg3: memref<10112xf32, #tpu.memory_space<hbm>>, %arg4: memref<323584xf32, #tpu.memory_space<hbm>>, %arg5: memref<128xi32, #tpu.memory_space<vmem>>, %arg6: memref<10112xf32, #tpu.memory_space<vmem>>) attributes {dimension_semantics = [#tpu.dimension_semantics<core_parallel>, #tpu.dimension_semantics<subcore_parallel>], iteration_bounds = array<i64: 2, 16>, scalar_prefetch = 0 : i64, scratch_operands = 2 : i64, tpu.core_type = #tpu.core_type<sc_vector_subcore>, window_params = [{transform_indices = #map}, {transform_indices = #map}, {transform_indices = #map}]} {
    %mul3A = arith.constant 16 : i32
    %mul3A_0 = arith.muli %arg0, %mul3A : i32
    %add3A = arith.addi %mul3A_0, %arg1 : i32
    "tpu.region"() ({
      %run_scoped3A = tpu.sem_alloc : memref<!tpu.dma_semaphore, #tpu.memory_space<semaphore_mem>>
      tpu.enqueue_dma source(%arg3 : memref<10112xf32, #tpu.memory_space<hbm>>) target(%arg6 : memref<10112xf32, #tpu.memory_space<vmem>>) target_semaphore(%run_scoped3A : memref<!tpu.dma_semaphore, #tpu.memory_space<semaphore_mem>>)
      tpu.wait_dma2 semaphore(%run_scoped3A : memref<!tpu.dma_semaphore, #tpu.memory_space<semaphore_mem>>) src(%arg3 : memref<10112xf32, #tpu.memory_space<hbm>>) dst(%arg6 : memref<10112xf32, #tpu.memory_space<vmem>>)
      tpu.yield
    }) : () -> ()
    %mul3A_1 = arith.constant 10240 : i32
    %mul3A_2 = arith.muli %add3A, %mul3A_1 : i32
    %broadcast_in_dim3A = arith.constant 1.000000e+00 : f32
    %broadcast_in_dim3A_3 = vector.broadcast %broadcast_in_dim3A : f32 to vector<16xf32>
    %scan3A = arith.constant 0 : i32
    %scan3A_4 = arith.constant 0 : i32
    %scan3A_5 = arith.constant 80 : i32
    %scan3A_6 = arith.addi %scan3A_4, %scan3A_5 : i32
    %scan3A_7 = arith.constant 1 : i32
    scf.for %scan3A_11 = %scan3A_4 to %scan3A_6 step %scan3A_7  : i32 {
      %mul3A_12 = arith.constant 128 : i32
      %mul3A_13 = arith.muli %scan3A_11, %mul3A_12 : i32
      %add3A_14 = arith.addi %mul3A_2, %mul3A_13 : i32
      "tpu.region"() ({
        %run_scoped3A = tpu.sem_alloc : memref<!tpu.dma_semaphore, #tpu.memory_space<semaphore_mem>>
        %dma_start3A = tpu.memref_slice %arg2[%add3A_14] : memref<327680xi32, #tpu.memory_space<hbm>> -> memref<128xi32, #tpu.memory_space<hbm>>
        %dma_start3A_30 = tpu.memref_slice %arg2[%add3A_14] : memref<327680xi32, #tpu.memory_space<hbm>> -> memref<128xi32, #tpu.memory_space<hbm>>
        tpu.enqueue_dma source(%dma_start3A_30 : memref<128xi32, #tpu.memory_space<hbm>>) target(%arg5 : memref<128xi32, #tpu.memory_space<vmem>>) target_semaphore(%run_scoped3A : memref<!tpu.dma_semaphore, #tpu.memory_space<semaphore_mem>>)
        %dma_wait3A = tpu.memref_slice %arg2[%add3A_14] : memref<327680xi32, #tpu.memory_space<hbm>> -> memref<128xi32, #tpu.memory_space<hbm>>
        %dma_wait3A_31 = tpu.memref_slice %arg2[%add3A_14] : memref<327680xi32, #tpu.memory_space<hbm>> -> memref<128xi32, #tpu.memory_space<hbm>>
        tpu.wait_dma2 semaphore(%run_scoped3A : memref<!tpu.dma_semaphore, #tpu.memory_space<semaphore_mem>>) src(%dma_wait3A_31 : memref<128xi32, #tpu.memory_space<hbm>>) dst(%arg5 : memref<128xi32, #tpu.memory_space<vmem>>)
        tpu.yield
      }) : () -> ()
      %get3A = arith.constant 0 : index
      %get3A_15 = tpu.vector_load %arg5[%get3A] {strides = array<i32>} : memref<128xi32, #tpu.memory_space<vmem>>, vector<16xi32>,
      tpu.vector_store_idx %arg6[%get3A_15], %broadcast_in_dim3A_3 {add = true} : memref<10112xf32, #tpu.memory_space<vmem>>[vector<16xi32>], vector<16xf32>,
      %get3A_16 = arith.constant 16 : index
      %get3A_17 = tpu.vector_load %arg5[%get3A_16] {strides = array<i32>} : memref<128xi32, #tpu.memory_space<vmem>>, vector<16xi32>,
      tpu.vector_store_idx %arg6[%get3A_17], %broadcast_in_dim3A_3 {add = true} : memref<10112xf32, #tpu.memory_space<vmem>>[vector<16xi32>], vector<16xf32>,
      %get3A_18 = arith.constant 32 : index
      %get3A_19 = tpu.vector_load %arg5[%get3A_18] {strides = array<i32>} : memref<128xi32, #tpu.memory_space<vmem>>, vector<16xi32>,
      tpu.vector_store_idx %arg6[%get3A_19], %broadcast_in_dim3A_3 {add = true} : memref<10112xf32, #tpu.memory_space<vmem>>[vector<16xi32>], vector<16xf32>,
      %get3A_20 = arith.constant 48 : index
      %get3A_21 = tpu.vector_load %arg5[%get3A_20] {strides = array<i32>} : memref<128xi32, #tpu.memory_space<vmem>>, vector<16xi32>,
      tpu.vector_store_idx %arg6[%get3A_21], %broadcast_in_dim3A_3 {add = true} : memref<10112xf32, #tpu.memory_space<vmem>>[vector<16xi32>], vector<16xf32>,
      %get3A_22 = arith.constant 64 : index
      %get3A_23 = tpu.vector_load %arg5[%get3A_22] {strides = array<i32>} : memref<128xi32, #tpu.memory_space<vmem>>, vector<16xi32>,
      tpu.vector_store_idx %arg6[%get3A_23], %broadcast_in_dim3A_3 {add = true} : memref<10112xf32, #tpu.memory_space<vmem>>[vector<16xi32>], vector<16xf32>,
      %get3A_24 = arith.constant 80 : index
      %get3A_25 = tpu.vector_load %arg5[%get3A_24] {strides = array<i32>} : memref<128xi32, #tpu.memory_space<vmem>>, vector<16xi32>,
      tpu.vector_store_idx %arg6[%get3A_25], %broadcast_in_dim3A_3 {add = true} : memref<10112xf32, #tpu.memory_space<vmem>>[vector<16xi32>], vector<16xf32>,
      %get3A_26 = arith.constant 96 : index
      %get3A_27 = tpu.vector_load %arg5[%get3A_26] {strides = array<i32>} : memref<128xi32, #tpu.memory_space<vmem>>, vector<16xi32>,
      tpu.vector_store_idx %arg6[%get3A_27], %broadcast_in_dim3A_3 {add = true} : memref<10112xf32, #tpu.memory_space<vmem>>[vector<16xi32>], vector<16xf32>,
      %get3A_28 = arith.constant 112 : index
      %get3A_29 = tpu.vector_load %arg5[%get3A_28] {strides = array<i32>} : memref<128xi32, #tpu.memory_space<vmem>>, vector<16xi32>,
      tpu.vector_store_idx %arg6[%get3A_29], %broadcast_in_dim3A_3 {add = true} : memref<10112xf32, #tpu.memory_space<vmem>>[vector<16xi32>], vector<16xf32>,
    }
    %scan3A_8 = arith.constant 80 : i32
    %mul3A_9 = arith.constant 10112 : i32
    %mul3A_10 = arith.muli %add3A, %mul3A_9 : i32
    "tpu.region"() ({
      %run_scoped3A = tpu.sem_alloc : memref<!tpu.dma_semaphore, #tpu.memory_space<semaphore_mem>>
      %dma_start3A = tpu.memref_slice %arg4[%mul3A_10] : memref<323584xf32, #tpu.memory_space<hbm>> -> memref<10112xf32, #tpu.memory_space<hbm>>
      %dma_start3A_11 = tpu.memref_slice %arg4[%mul3A_10] : memref<323584xf32, #tpu.memory_space<hbm>> -> memref<10112xf32, #tpu.memory_space<hbm>>
      tpu.enqueue_dma source(%arg6 : memref<10112xf32, #tpu.memory_space<vmem>>) target(%dma_start3A_11 : memref<10112xf32, #tpu.memory_space<hbm>>) target_semaphore(%run_scoped3A : memref<!tpu.dma_semaphore, #tpu.memory_space<semaphore_mem>>)
      %dma_wait3A = tpu.memref_slice %arg4[%mul3A_10] : memref<323584xf32, #tpu.memory_space<hbm>> -> memref<10112xf32, #tpu.memory_space<hbm>>
      %dma_wait3A_12 = tpu.memref_slice %arg4[%mul3A_10] : memref<323584xf32, #tpu.memory_space<hbm>> -> memref<10112xf32, #tpu.memory_space<hbm>>
      tpu.wait_dma2 semaphore(%run_scoped3A : memref<!tpu.dma_semaphore, #tpu.memory_space<semaphore_mem>>) src(%arg6 : memref<10112xf32, #tpu.memory_space<vmem>>) dst(%dma_wait3A_12 : memref<10112xf32, #tpu.memory_space<hbm>>)
      tpu.yield
    }) : () -> ()
    return
  }
}

#map = affine_map<(d0, d1) -> (0, 0)>
#map1 = affine_map<(d0, d1) -> (0)>
module attributes {stable_mosaic.version = 14 : i64} {
  func.func @body(%arg0: i32, %arg1: i32, %arg2: memref<10000x128xf32, #tpu.memory_space<hbm>>, %arg3: memref<327680xi32, #tpu.memory_space<hbm>>, %arg4: memref<327680xi32, #tpu.memory_space<hbm>>, %arg5: memref<10112x128xf32, #tpu.memory_space<hbm>>, %arg6: memref<20224x128xf32, #tpu.memory_space<hbm>>, %arg7: memref<128xi32, #tpu.memory_space<vmem>>, %arg8: memref<128xi32, #tpu.memory_space<vmem>>, %arg9: memref<128x128xf32, #tpu.memory_space<vmem>>, %arg10: memref<128xi32, #tpu.memory_space<vmem>>, %arg11: memref<128xi32, #tpu.memory_space<vmem>>, %arg12: memref<128x128xf32, #tpu.memory_space<vmem>>, %arg13: memref<10112x128xf32, #tpu.memory_space<vmem_shared>>, %arg14: memref<!tpu.dma_semaphore, #tpu.memory_space<semaphore_mem>>, %arg15: memref<!tpu.dma_semaphore, #tpu.memory_space<semaphore_mem>>) attributes {dimension_semantics = [#tpu.dimension_semantics<core_parallel>, #tpu.dimension_semantics<subcore_parallel>], iteration_bounds = array<i64: 2, 16>, scalar_prefetch = 0 : i64, scratch_operands = 9 : i64, tpu.core_type = #tpu.core_type<sc_vector_subcore>, window_params = [{transform_indices = #map}, {transform_indices = #map1}, {transform_indices = #map1}, {transform_indices = #map}, {transform_indices = #map}]} {
    %mul3A = arith.constant 632 : i32
    %mul3A_0 = arith.muli %arg1, %mul3A : i32
    %mul3A_1 = arith.constant 632 : i32
    %mul3A_2 = arith.muli %arg1, %mul3A_1 : i32
    "tpu.region"() ({
      %run_scoped3A = tpu.sem_alloc : memref<!tpu.dma_semaphore, #tpu.memory_space<semaphore_mem>>
      %dma_start3A_50 = arith.constant 0 : i32
      %dma_start3A_51 = tpu.memref_slice %arg13[%mul3A_2, %dma_start3A_50] : memref<10112x128xf32, #tpu.memory_space<vmem_shared>> -> memref<632x128xf32, #tpu.memory_space<vmem_shared>>
      %dma_start3A_52 = arith.constant 0 : i32
      %dma_start3A_53 = tpu.memref_slice %arg5[%mul3A_0, %dma_start3A_52] : memref<10112x128xf32, #tpu.memory_space<hbm>> -> memref<632x128xf32, #tpu.memory_space<hbm>>
      tpu.enqueue_dma source(%dma_start3A_53 : memref<632x128xf32, #tpu.memory_space<hbm>>) target(%dma_start3A_51 : memref<632x128xf32, #tpu.memory_space<vmem_shared>>) target_semaphore(%run_scoped3A : memref<!tpu.dma_semaphore, #tpu.memory_space<semaphore_mem>>)
      %dma_wait3A = arith.constant 0 : i32
      %dma_wait3A_54 = tpu.memref_slice %arg13[%mul3A_2, %dma_wait3A] : memref<10112x128xf32, #tpu.memory_space<vmem_shared>> -> memref<632x128xf32, #tpu.memory_space<vmem_shared>>
      %dma_wait3A_55 = arith.constant 0 : i32
      %dma_wait3A_56 = tpu.memref_slice %arg5[%mul3A_0, %dma_wait3A_55] : memref<10112x128xf32, #tpu.memory_space<hbm>> -> memref<632x128xf32, #tpu.memory_space<hbm>>
      tpu.wait_dma2 semaphore(%run_scoped3A : memref<!tpu.dma_semaphore, #tpu.memory_space<semaphore_mem>>) src(%dma_wait3A_56 : memref<632x128xf32, #tpu.memory_space<hbm>>) dst(%dma_wait3A_54 : memref<632x128xf32, #tpu.memory_space<vmem_shared>>)
      tpu.yield
    }) : () -> ()
    %barrier3A = arith.constant 0 : index
    tpu.barrier barrier_id(%barrier3A)
    %eq3A = arith.constant 0 : i32
    %eq3A_3 = arith.cmpi eq, %arg0, %eq3A : i32
    %mul3A_4 = arith.constant 12800 : i32
    %mul3A_5 = arith.muli %arg1, %mul3A_4 : i32
    %mul3A_6 = arith.constant 7680 : i32
    %mul3A_7 = arith.muli %arg1, %mul3A_6 : i32
    %add3A = arith.constant 204800 : i32
    %add3A_8 = arith.addi %add3A, %mul3A_7 : i32
    %select_n3A = arith.select %eq3A_3, %mul3A_5, %add3A_8 : i32
    %eq3A_9 = arith.constant 0 : i32
    %eq3A_10 = arith.cmpi eq, %arg0, %eq3A_9 : i32
    %jit3A = arith.constant 100 : i32
    %jit3A_11 = arith.constant 60 : i32
    %select_n3A_12 = arith.select %eq3A_10, %jit3A, %jit3A_11 : i32
    "tpu.region"() ({
      %run_scoped3A = tpu.sem_alloc : memref<!tpu.dma_semaphore, #tpu.memory_space<semaphore_mem>>
      %dma_start3A_50 = tpu.memref_slice %arg3[%select_n3A] : memref<327680xi32, #tpu.memory_space<hbm>> -> memref<128xi32, #tpu.memory_space<hbm>>
      %dma_start3A_51 = tpu.memref_slice %arg3[%select_n3A] : memref<327680xi32, #tpu.memory_space<hbm>> -> memref<128xi32, #tpu.memory_space<hbm>>
      tpu.enqueue_dma source(%dma_start3A_51 : memref<128xi32, #tpu.memory_space<hbm>>) target(%arg7 : memref<128xi32, #tpu.memory_space<vmem>>) target_semaphore(%run_scoped3A : memref<!tpu.dma_semaphore, #tpu.memory_space<semaphore_mem>>)
      %dma_wait3A = tpu.memref_slice %arg3[%select_n3A] : memref<327680xi32, #tpu.memory_space<hbm>> -> memref<128xi32, #tpu.memory_space<hbm>>
      %dma_wait3A_52 = tpu.memref_slice %arg3[%select_n3A] : memref<327680xi32, #tpu.memory_space<hbm>> -> memref<128xi32, #tpu.memory_space<hbm>>
      tpu.wait_dma2 semaphore(%run_scoped3A : memref<!tpu.dma_semaphore, #tpu.memory_space<semaphore_mem>>) src(%dma_wait3A_52 : memref<128xi32, #tpu.memory_space<hbm>>) dst(%arg7 : memref<128xi32, #tpu.memory_space<vmem>>)
      tpu.yield
    }) : () -> ()
    "tpu.region"() ({
      %run_scoped3A = tpu.sem_alloc : memref<!tpu.dma_semaphore, #tpu.memory_space<semaphore_mem>>
      %dma_start3A_50 = tpu.memref_slice %arg4[%select_n3A] : memref<327680xi32, #tpu.memory_space<hbm>> -> memref<128xi32, #tpu.memory_space<hbm>>
      %dma_start3A_51 = tpu.memref_slice %arg4[%select_n3A] : memref<327680xi32, #tpu.memory_space<hbm>> -> memref<128xi32, #tpu.memory_space<hbm>>
      tpu.enqueue_dma source(%dma_start3A_51 : memref<128xi32, #tpu.memory_space<hbm>>) target(%arg8 : memref<128xi32, #tpu.memory_space<vmem>>) target_semaphore(%run_scoped3A : memref<!tpu.dma_semaphore, #tpu.memory_space<semaphore_mem>>)
      %dma_wait3A = tpu.memref_slice %arg4[%select_n3A] : memref<327680xi32, #tpu.memory_space<hbm>> -> memref<128xi32, #tpu.memory_space<hbm>>
      %dma_wait3A_52 = tpu.memref_slice %arg4[%select_n3A] : memref<327680xi32, #tpu.memory_space<hbm>> -> memref<128xi32, #tpu.memory_space<hbm>>
      tpu.wait_dma2 semaphore(%run_scoped3A : memref<!tpu.dma_semaphore, #tpu.memory_space<semaphore_mem>>) src(%dma_wait3A_52 : memref<128xi32, #tpu.memory_space<hbm>>) dst(%arg8 : memref<128xi32, #tpu.memory_space<vmem>>)
      tpu.yield
    }) : () -> ()
    %dma_start3A = arith.constant 0 : i32
    %dma_start3A_13 = arith.constant 0 : i32
    %dma_start3A_14 = tpu.memref_slice %arg2[%dma_start3A, %dma_start3A_13] : memref<10000x128xf32, #tpu.memory_space<hbm>> -> memref<10000x128xf32, #tpu.memory_space<hbm>>
    tpu.enqueue_indirect_dma source(%dma_start3A_14 : memref<10000x128xf32, #tpu.memory_space<hbm>>) target(%arg9 : memref<128x128xf32, #tpu.memory_space<vmem>>) offsets(%arg7 : memref<128xi32, #tpu.memory_space<vmem>>) semaphore(%arg14 : memref<!tpu.dma_semaphore, #tpu.memory_space<semaphore_mem>>)
    %jit3A_15 = arith.constant 2 : i32
    %div3A = arith.divsi %select_n3A_12, %jit3A_15 : i32
    %sign3A = arith.constant 0 : i32
    %sign3A_16 = arith.cmpi sgt, %select_n3A_12, %sign3A : i32
    %sign3A_17 = arith.extui %sign3A_16 : i1 to i32
    %sign3A_18 = arith.constant 0 : i32
    %sign3A_19 = arith.cmpi slt, %select_n3A_12, %sign3A_18 : i32
    %sign3A_20 = arith.extui %sign3A_19 : i1 to i32
    %sign3A_21 = arith.subi %sign3A_17, %sign3A_20 : i32
    %sign3A_22 = arith.constant 0 : i32
    %sign3A_23 = arith.cmpi sgt, %jit3A_15, %sign3A_22 : i32
    %sign3A_24 = arith.extui %sign3A_23 : i1 to i32
    %sign3A_25 = arith.constant 0 : i32
    %sign3A_26 = arith.cmpi slt, %jit3A_15, %sign3A_25 : i32
    %sign3A_27 = arith.extui %sign3A_26 : i1 to i32
    %sign3A_28 = arith.subi %sign3A_24, %sign3A_27 : i32
    %ne3A = arith.cmpi ne, %sign3A_21, %sign3A_28 : i32
    %rem3A = arith.remsi %select_n3A_12, %jit3A_15 : i32
    %ne3A_29 = arith.constant 0 : i32
    %ne3A_30 = arith.cmpi ne, %rem3A, %ne3A_29 : i32
    %and3A = arith.andi %ne3A, %ne3A_30 : i1
    %sub3A = arith.constant 1 : i32
    %sub3A_31 = arith.subi %div3A, %sub3A : i32
    %select_n3A_32 = arith.select %and3A, %sub3A_31, %div3A : i32
    %while3A = arith.constant 0 : i32
    %while3A_33 = arith.constant 0 : i32
    %while3A_34 = arith.subi %select_n3A_32, %while3A_33 : i32
    %while3A_35 = arith.addi %while3A_33, %while3A_34 : i32
    %while3A_36 = arith.constant 1 : i32
    %while3A_37 = arith.divsi %while3A_34, %while3A_36 : i32
    %while3A_38 = arith.muli %while3A_37, %while3A_36 : i32
    %while3A_39 = arith.addi %while3A_33, %while3A_38 : i32
    %while3A_40 = arith.constant 1 : i32
    scf.for %while3A_50 = %while3A_33 to %while3A_39 step %while3A_40  : i32 {
      %mul3A_51 = arith.constant 2 : i32
      %mul3A_52 = arith.muli %while3A_50, %mul3A_51 : i32
      %add3A_53 = arith.constant 1 : i32
      %add3A_54 = arith.addi %mul3A_52, %add3A_53 : i32
      %mul3A_55 = arith.constant 128 : i32
      %mul3A_56 = arith.muli %add3A_54, %mul3A_55 : i32
      %add3A_57 = arith.addi %select_n3A, %mul3A_56 : i32
      "tpu.region"() ({
        %run_scoped3A = tpu.sem_alloc : memref<!tpu.dma_semaphore, #tpu.memory_space<semaphore_mem>>
        %dma_start3A_74 = tpu.memref_slice %arg3[%add3A_57] : memref<327680xi32, #tpu.memory_space<hbm>> -> memref<128xi32, #tpu.memory_space<hbm>>
        %dma_start3A_75 = tpu.memref_slice %arg3[%add3A_57] : memref<327680xi32, #tpu.memory_space<hbm>> -> memref<128xi32, #tpu.memory_space<hbm>>
        tpu.enqueue_dma source(%dma_start3A_75 : memref<128xi32, #tpu.memory_space<hbm>>) target(%arg10 : memref<128xi32, #tpu.memory_space<vmem>>) target_semaphore(%run_scoped3A : memref<!tpu.dma_semaphore, #tpu.memory_space<semaphore_mem>>)
        %dma_wait3A_76 = tpu.memref_slice %arg3[%add3A_57] : memref<327680xi32, #tpu.memory_space<hbm>> -> memref<128xi32, #tpu.memory_space<hbm>>
        %dma_wait3A_77 = tpu.memref_slice %arg3[%add3A_57] : memref<327680xi32, #tpu.memory_space<hbm>> -> memref<128xi32, #tpu.memory_space<hbm>>
        tpu.wait_dma2 semaphore(%run_scoped3A : memref<!tpu.dma_semaphore, #tpu.memory_space<semaphore_mem>>) src(%dma_wait3A_77 : memref<128xi32, #tpu.memory_space<hbm>>) dst(%arg10 : memref<128xi32, #tpu.memory_space<vmem>>)
        tpu.yield
      }) : () -> ()
      %add3A_58 = arith.constant 1 : i32
      %add3A_59 = arith.addi %mul3A_52, %add3A_58 : i32
      %mul3A_60 = arith.constant 128 : i32
      %mul3A_61 = arith.muli %add3A_59, %mul3A_60 : i32
      %add3A_62 = arith.addi %select_n3A, %mul3A_61 : i32
      "tpu.region"() ({
        %run_scoped3A = tpu.sem_alloc : memref<!tpu.dma_semaphore, #tpu.memory_space<semaphore_mem>>
        %dma_start3A_74 = tpu.memref_slice %arg4[%add3A_62] : memref<327680xi32, #tpu.memory_space<hbm>> -> memref<128xi32, #tpu.memory_space<hbm>>
        %dma_start3A_75 = tpu.memref_slice %arg4[%add3A_62] : memref<327680xi32, #tpu.memory_space<hbm>> -> memref<128xi32, #tpu.memory_space<hbm>>
        tpu.enqueue_dma source(%dma_start3A_75 : memref<128xi32, #tpu.memory_space<hbm>>) target(%arg11 : memref<128xi32, #tpu.memory_space<vmem>>) target_semaphore(%run_scoped3A : memref<!tpu.dma_semaphore, #tpu.memory_space<semaphore_mem>>)
        %dma_wait3A_76 = tpu.memref_slice %arg4[%add3A_62] : memref<327680xi32, #tpu.memory_space<hbm>> -> memref<128xi32, #tpu.memory_space<hbm>>
        %dma_wait3A_77 = tpu.memref_slice %arg4[%add3A_62] : memref<327680xi32, #tpu.memory_space<hbm>> -> memref<128xi32, #tpu.memory_space<hbm>>
        tpu.wait_dma2 semaphore(%run_scoped3A : memref<!tpu.dma_semaphore, #tpu.memory_space<semaphore_mem>>) src(%dma_wait3A_77 : memref<128xi32, #tpu.memory_space<hbm>>) dst(%arg11 : memref<128xi32, #tpu.memory_space<vmem>>)
        tpu.yield
      }) : () -> ()
      %dma_start3A_63 = arith.constant 0 : i32
      %dma_start3A_64 = arith.constant 0 : i32
      %dma_start3A_65 = tpu.memref_slice %arg2[%dma_start3A_63, %dma_start3A_64] : memref<10000x128xf32, #tpu.memory_space<hbm>> -> memref<10000x128xf32, #tpu.memory_space<hbm>>
      tpu.enqueue_indirect_dma source(%dma_start3A_65 : memref<10000x128xf32, #tpu.memory_space<hbm>>) target(%arg12 : memref<128x128xf32, #tpu.memory_space<vmem>>) offsets(%arg10 : memref<128xi32, #tpu.memory_space<vmem>>) semaphore(%arg15 : memref<!tpu.dma_semaphore, #tpu.memory_space<semaphore_mem>>)
      %dma_wait3A = arith.constant 0 : i32
      %dma_wait3A_66 = arith.constant 0 : i32
      %dma_wait3A_67 = tpu.memref_slice %arg2[%dma_wait3A, %dma_wait3A_66] : memref<10000x128xf32, #tpu.memory_space<hbm>> -> memref<10000x128xf32, #tpu.memory_space<hbm>>
      tpu.wait_indirect_dma semaphore(%arg14 : memref<!tpu.dma_semaphore, #tpu.memory_space<semaphore_mem>>) src(%dma_wait3A_67 : memref<10000x128xf32, #tpu.memory_space<hbm>>) dst(%arg9 : memref<128x128xf32, #tpu.memory_space<vmem>>)
      "tpu.region"() ({
        %run_scoped3A = tpu.sem_alloc : memref<!tpu.dma_semaphore, #tpu.memory_space<semaphore_mem>>
        %dma_start3A_74 = arith.constant 0 : i32
        %dma_start3A_75 = arith.constant 0 : i32
        %dma_start3A_76 = tpu.memref_slice %arg13[%dma_start3A_74, %dma_start3A_75] : memref<10112x128xf32, #tpu.memory_space<vmem_shared>> -> memref<10112x128xf32, #tpu.memory_space<vmem_shared>>
        tpu.enqueue_indirect_dma source(%arg9 : memref<128x128xf32, #tpu.memory_space<vmem>>) target(%dma_start3A_76 : memref<10112x128xf32, #tpu.memory_space<vmem_shared>>) offsets(%arg8 : memref<128xi32, #tpu.memory_space<vmem>>) semaphore(%run_scoped3A : memref<!tpu.dma_semaphore, #tpu.memory_space<semaphore_mem>>) {add = true}
        %dma_wait3A_77 = arith.constant 0 : i32
        %dma_wait3A_78 = arith.constant 0 : i32
        %dma_wait3A_79 = tpu.memref_slice %arg13[%dma_wait3A_77, %dma_wait3A_78] : memref<10112x128xf32, #tpu.memory_space<vmem_shared>> -> memref<10112x128xf32, #tpu.memory_space<vmem_shared>>
        tpu.wait_indirect_dma semaphore(%run_scoped3A : memref<!tpu.dma_semaphore, #tpu.memory_space<semaphore_mem>>) src(%arg9 : memref<128x128xf32, #tpu.memory_space<vmem>>) dst(%dma_wait3A_79 : memref<10112x128xf32, #tpu.memory_space<vmem_shared>>)
        tpu.yield
      }) : () -> ()
      %add3A_68 = arith.constant 2 : i32
      %add3A_69 = arith.addi %mul3A_52, %add3A_68 : i32
      %lt3A = arith.cmpi slt, %add3A_69, %select_n3A_12 : i32
      %convert_element_type3A = arith.extui %lt3A : i1 to i32
      %cond3A = arith.constant 0 : i32
      %cond3A_70 = arith.cmpi ne, %convert_element_type3A, %cond3A : i32
      scf.if %cond3A_70 {
        %add3A_74 = arith.constant 2 : i32
        %add3A_75 = arith.addi %mul3A_52, %add3A_74 : i32
        %mul3A_76 = arith.constant 128 : i32
        %mul3A_77 = arith.muli %add3A_75, %mul3A_76 : i32
        %add3A_78 = arith.addi %select_n3A, %mul3A_77 : i32
        "tpu.region"() ({
          %run_scoped3A = tpu.sem_alloc : memref<!tpu.dma_semaphore, #tpu.memory_space<semaphore_mem>>
          %dma_start3A_87 = tpu.memref_slice %arg3[%add3A_78] : memref<327680xi32, #tpu.memory_space<hbm>> -> memref<128xi32, #tpu.memory_space<hbm>>
          %dma_start3A_88 = tpu.memref_slice %arg3[%add3A_78] : memref<327680xi32, #tpu.memory_space<hbm>> -> memref<128xi32, #tpu.memory_space<hbm>>
          tpu.enqueue_dma source(%dma_start3A_88 : memref<128xi32, #tpu.memory_space<hbm>>) target(%arg7 : memref<128xi32, #tpu.memory_space<vmem>>) target_semaphore(%run_scoped3A : memref<!tpu.dma_semaphore, #tpu.memory_space<semaphore_mem>>)
          %dma_wait3A_89 = tpu.memref_slice %arg3[%add3A_78] : memref<327680xi32, #tpu.memory_space<hbm>> -> memref<128xi32, #tpu.memory_space<hbm>>
          %dma_wait3A_90 = tpu.memref_slice %arg3[%add3A_78] : memref<327680xi32, #tpu.memory_space<hbm>> -> memref<128xi32, #tpu.memory_space<hbm>>
          tpu.wait_dma2 semaphore(%run_scoped3A : memref<!tpu.dma_semaphore, #tpu.memory_space<semaphore_mem>>) src(%dma_wait3A_90 : memref<128xi32, #tpu.memory_space<hbm>>) dst(%arg7 : memref<128xi32, #tpu.memory_space<vmem>>)
          tpu.yield
        }) : () -> ()
        %add3A_79 = arith.constant 2 : i32
        %add3A_80 = arith.addi %mul3A_52, %add3A_79 : i32
        %mul3A_81 = arith.constant 128 : i32
        %mul3A_82 = arith.muli %add3A_80, %mul3A_81 : i32
        %add3A_83 = arith.addi %select_n3A, %mul3A_82 : i32
        "tpu.region"() ({
          %run_scoped3A = tpu.sem_alloc : memref<!tpu.dma_semaphore, #tpu.memory_space<semaphore_mem>>
          %dma_start3A_87 = tpu.memref_slice %arg4[%add3A_83] : memref<327680xi32, #tpu.memory_space<hbm>> -> memref<128xi32, #tpu.memory_space<hbm>>
          %dma_start3A_88 = tpu.memref_slice %arg4[%add3A_83] : memref<327680xi32, #tpu.memory_space<hbm>> -> memref<128xi32, #tpu.memory_space<hbm>>
          tpu.enqueue_dma source(%dma_start3A_88 : memref<128xi32, #tpu.memory_space<hbm>>) target(%arg8 : memref<128xi32, #tpu.memory_space<vmem>>) target_semaphore(%run_scoped3A : memref<!tpu.dma_semaphore, #tpu.memory_space<semaphore_mem>>)
          %dma_wait3A_89 = tpu.memref_slice %arg4[%add3A_83] : memref<327680xi32, #tpu.memory_space<hbm>> -> memref<128xi32, #tpu.memory_space<hbm>>
          %dma_wait3A_90 = tpu.memref_slice %arg4[%add3A_83] : memref<327680xi32, #tpu.memory_space<hbm>> -> memref<128xi32, #tpu.memory_space<hbm>>
          tpu.wait_dma2 semaphore(%run_scoped3A : memref<!tpu.dma_semaphore, #tpu.memory_space<semaphore_mem>>) src(%dma_wait3A_90 : memref<128xi32, #tpu.memory_space<hbm>>) dst(%arg8 : memref<128xi32, #tpu.memory_space<vmem>>)
          tpu.yield
        }) : () -> ()
        %dma_start3A_84 = arith.constant 0 : i32
        %dma_start3A_85 = arith.constant 0 : i32
        %dma_start3A_86 = tpu.memref_slice %arg2[%dma_start3A_84, %dma_start3A_85] : memref<10000x128xf32, #tpu.memory_space<hbm>> -> memref<10000x128xf32, #tpu.memory_space<hbm>>
        tpu.enqueue_indirect_dma source(%dma_start3A_86 : memref<10000x128xf32, #tpu.memory_space<hbm>>) target(%arg9 : memref<128x128xf32, #tpu.memory_space<vmem>>) offsets(%arg7 : memref<128xi32, #tpu.memory_space<vmem>>) semaphore(%arg14 : memref<!tpu.dma_semaphore, #tpu.memory_space<semaphore_mem>>)
      } else {
      }
      %dma_wait3A_71 = arith.constant 0 : i32
      %dma_wait3A_72 = arith.constant 0 : i32
      %dma_wait3A_73 = tpu.memref_slice %arg2[%dma_wait3A_71, %dma_wait3A_72] : memref<10000x128xf32, #tpu.memory_space<hbm>> -> memref<10000x128xf32, #tpu.memory_space<hbm>>
      tpu.wait_indirect_dma semaphore(%arg15 : memref<!tpu.dma_semaphore, #tpu.memory_space<semaphore_mem>>) src(%dma_wait3A_73 : memref<10000x128xf32, #tpu.memory_space<hbm>>) dst(%arg12 : memref<128x128xf32, #tpu.memory_space<vmem>>)
      "tpu.region"() ({
        %run_scoped3A = tpu.sem_alloc : memref<!tpu.dma_semaphore, #tpu.memory_space<semaphore_mem>>
        %dma_start3A_74 = arith.constant 0 : i32
        %dma_start3A_75 = arith.constant 0 : i32
        %dma_start3A_76 = tpu.memref_slice %arg13[%dma_start3A_74, %dma_start3A_75] : memref<10112x128xf32, #tpu.memory_space<vmem_shared>> -> memref<10112x128xf32, #tpu.memory_space<vmem_shared>>
        tpu.enqueue_indirect_dma source(%arg12 : memref<128x128xf32, #tpu.memory_space<vmem>>) target(%dma_start3A_76 : memref<10112x128xf32, #tpu.memory_space<vmem_shared>>) offsets(%arg11 : memref<128xi32, #tpu.memory_space<vmem>>) semaphore(%run_scoped3A : memref<!tpu.dma_semaphore, #tpu.memory_space<semaphore_mem>>) {add = true}
        %dma_wait3A_77 = arith.constant 0 : i32
        %dma_wait3A_78 = arith.constant 0 : i32
        %dma_wait3A_79 = tpu.memref_slice %arg13[%dma_wait3A_77, %dma_wait3A_78] : memref<10112x128xf32, #tpu.memory_space<vmem_shared>> -> memref<10112x128xf32, #tpu.memory_space<vmem_shared>>
        tpu.wait_indirect_dma semaphore(%run_scoped3A : memref<!tpu.dma_semaphore, #tpu.memory_space<semaphore_mem>>) src(%arg12 : memref<128x128xf32, #tpu.memory_space<vmem>>) dst(%dma_wait3A_79 : memref<10112x128xf32, #tpu.memory_space<vmem_shared>>)
        tpu.yield
      }) : () -> ()
    }
    %while3A_41 = arith.constant 1 : i32
    scf.for %while3A_50 = %while3A_39 to %while3A_35 step %while3A_41  : i32 {
      %mul3A_51 = arith.constant 2 : i32
      %mul3A_52 = arith.muli %while3A_50, %mul3A_51 : i32
      %add3A_53 = arith.constant 1 : i32
      %add3A_54 = arith.addi %mul3A_52, %add3A_53 : i32
      %mul3A_55 = arith.constant 128 : i32
      %mul3A_56 = arith.muli %add3A_54, %mul3A_55 : i32
      %add3A_57 = arith.addi %select_n3A, %mul3A_56 : i32
      "tpu.region"() ({
        %run_scoped3A = tpu.sem_alloc : memref<!tpu.dma_semaphore, #tpu.memory_space<semaphore_mem>>
        %dma_start3A_74 = tpu.memref_slice %arg3[%add3A_57] : memref<327680xi32, #tpu.memory_space<hbm>> -> memref<128xi32, #tpu.memory_space<hbm>>
        %dma_start3A_75 = tpu.memref_slice %arg3[%add3A_57] : memref<327680xi32, #tpu.memory_space<hbm>> -> memref<128xi32, #tpu.memory_space<hbm>>
        tpu.enqueue_dma source(%dma_start3A_75 : memref<128xi32, #tpu.memory_space<hbm>>) target(%arg10 : memref<128xi32, #tpu.memory_space<vmem>>) target_semaphore(%run_scoped3A : memref<!tpu.dma_semaphore, #tpu.memory_space<semaphore_mem>>)
        %dma_wait3A_76 = tpu.memref_slice %arg3[%add3A_57] : memref<327680xi32, #tpu.memory_space<hbm>> -> memref<128xi32, #tpu.memory_space<hbm>>
        %dma_wait3A_77 = tpu.memref_slice %arg3[%add3A_57] : memref<327680xi32, #tpu.memory_space<hbm>> -> memref<128xi32, #tpu.memory_space<hbm>>
        tpu.wait_dma2 semaphore(%run_scoped3A : memref<!tpu.dma_semaphore, #tpu.memory_space<semaphore_mem>>) src(%dma_wait3A_77 : memref<128xi32, #tpu.memory_space<hbm>>) dst(%arg10 : memref<128xi32, #tpu.memory_space<vmem>>)
        tpu.yield
      }) : () -> ()
      %add3A_58 = arith.constant 1 : i32
      %add3A_59 = arith.addi %mul3A_52, %add3A_58 : i32
      %mul3A_60 = arith.constant 128 : i32
      %mul3A_61 = arith.muli %add3A_59, %mul3A_60 : i32
      %add3A_62 = arith.addi %select_n3A, %mul3A_61 : i32
      "tpu.region"() ({
        %run_scoped3A = tpu.sem_alloc : memref<!tpu.dma_semaphore, #tpu.memory_space<semaphore_mem>>
        %dma_start3A_74 = tpu.memref_slice %arg4[%add3A_62] : memref<327680xi32, #tpu.memory_space<hbm>> -> memref<128xi32, #tpu.memory_space<hbm>>
        %dma_start3A_75 = tpu.memref_slice %arg4[%add3A_62] : memref<327680xi32, #tpu.memory_space<hbm>> -> memref<128xi32, #tpu.memory_space<hbm>>
        tpu.enqueue_dma source(%dma_start3A_75 : memref<128xi32, #tpu.memory_space<hbm>>) target(%arg11 : memref<128xi32, #tpu.memory_space<vmem>>) target_semaphore(%run_scoped3A : memref<!tpu.dma_semaphore, #tpu.memory_space<semaphore_mem>>)
        %dma_wait3A_76 = tpu.memref_slice %arg4[%add3A_62] : memref<327680xi32, #tpu.memory_space<hbm>> -> memref<128xi32, #tpu.memory_space<hbm>>
        %dma_wait3A_77 = tpu.memref_slice %arg4[%add3A_62] : memref<327680xi32, #tpu.memory_space<hbm>> -> memref<128xi32, #tpu.memory_space<hbm>>
        tpu.wait_dma2 semaphore(%run_scoped3A : memref<!tpu.dma_semaphore, #tpu.memory_space<semaphore_mem>>) src(%dma_wait3A_77 : memref<128xi32, #tpu.memory_space<hbm>>) dst(%arg11 : memref<128xi32, #tpu.memory_space<vmem>>)
        tpu.yield
      }) : () -> ()
      %dma_start3A_63 = arith.constant 0 : i32
      %dma_start3A_64 = arith.constant 0 : i32
      %dma_start3A_65 = tpu.memref_slice %arg2[%dma_start3A_63, %dma_start3A_64] : memref<10000x128xf32, #tpu.memory_space<hbm>> -> memref<10000x128xf32, #tpu.memory_space<hbm>>
      tpu.enqueue_indirect_dma source(%dma_start3A_65 : memref<10000x128xf32, #tpu.memory_space<hbm>>) target(%arg12 : memref<128x128xf32, #tpu.memory_space<vmem>>) offsets(%arg10 : memref<128xi32, #tpu.memory_space<vmem>>) semaphore(%arg15 : memref<!tpu.dma_semaphore, #tpu.memory_space<semaphore_mem>>)
      %dma_wait3A = arith.constant 0 : i32
      %dma_wait3A_66 = arith.constant 0 : i32
      %dma_wait3A_67 = tpu.memref_slice %arg2[%dma_wait3A, %dma_wait3A_66] : memref<10000x128xf32, #tpu.memory_space<hbm>> -> memref<10000x128xf32, #tpu.memory_space<hbm>>
      tpu.wait_indirect_dma semaphore(%arg14 : memref<!tpu.dma_semaphore, #tpu.memory_space<semaphore_mem>>) src(%dma_wait3A_67 : memref<10000x128xf32, #tpu.memory_space<hbm>>) dst(%arg9 : memref<128x128xf32, #tpu.memory_space<vmem>>)
      "tpu.region"() ({
        %run_scoped3A = tpu.sem_alloc : memref<!tpu.dma_semaphore, #tpu.memory_space<semaphore_mem>>
        %dma_start3A_74 = arith.constant 0 : i32
        %dma_start3A_75 = arith.constant 0 : i32
        %dma_start3A_76 = tpu.memref_slice %arg13[%dma_start3A_74, %dma_start3A_75] : memref<10112x128xf32, #tpu.memory_space<vmem_shared>> -> memref<10112x128xf32, #tpu.memory_space<vmem_shared>>
        tpu.enqueue_indirect_dma source(%arg9 : memref<128x128xf32, #tpu.memory_space<vmem>>) target(%dma_start3A_76 : memref<10112x128xf32, #tpu.memory_space<vmem_shared>>) offsets(%arg8 : memref<128xi32, #tpu.memory_space<vmem>>) semaphore(%run_scoped3A : memref<!tpu.dma_semaphore, #tpu.memory_space<semaphore_mem>>) {add = true}
        %dma_wait3A_77 = arith.constant 0 : i32
        %dma_wait3A_78 = arith.constant 0 : i32
        %dma_wait3A_79 = tpu.memref_slice %arg13[%dma_wait3A_77, %dma_wait3A_78] : memref<10112x128xf32, #tpu.memory_space<vmem_shared>> -> memref<10112x128xf32, #tpu.memory_space<vmem_shared>>
        tpu.wait_indirect_dma semaphore(%run_scoped3A : memref<!tpu.dma_semaphore, #tpu.memory_space<semaphore_mem>>) src(%arg9 : memref<128x128xf32, #tpu.memory_space<vmem>>) dst(%dma_wait3A_79 : memref<10112x128xf32, #tpu.memory_space<vmem_shared>>)
        tpu.yield
      }) : () -> ()
      %add3A_68 = arith.constant 2 : i32
      %add3A_69 = arith.addi %mul3A_52, %add3A_68 : i32
      %lt3A = arith.cmpi slt, %add3A_69, %select_n3A_12 : i32
      %convert_element_type3A = arith.extui %lt3A : i1 to i32
      %cond3A = arith.constant 0 : i32
      %cond3A_70 = arith.cmpi ne, %convert_element_type3A, %cond3A : i32
      scf.if %cond3A_70 {
        %add3A_74 = arith.constant 2 : i32
        %add3A_75 = arith.addi %mul3A_52, %add3A_74 : i32
        %mul3A_76 = arith.constant 128 : i32
        %mul3A_77 = arith.muli %add3A_75, %mul3A_76 : i32
        %add3A_78 = arith.addi %select_n3A, %mul3A_77 : i32
        "tpu.region"() ({
          %run_scoped3A = tpu.sem_alloc : memref<!tpu.dma_semaphore, #tpu.memory_space<semaphore_mem>>
          %dma_start3A_87 = tpu.memref_slice %arg3[%add3A_78] : memref<327680xi32, #tpu.memory_space<hbm>> -> memref<128xi32, #tpu.memory_space<hbm>>
          %dma_start3A_88 = tpu.memref_slice %arg3[%add3A_78] : memref<327680xi32, #tpu.memory_space<hbm>> -> memref<128xi32, #tpu.memory_space<hbm>>
          tpu.enqueue_dma source(%dma_start3A_88 : memref<128xi32, #tpu.memory_space<hbm>>) target(%arg7 : memref<128xi32, #tpu.memory_space<vmem>>) target_semaphore(%run_scoped3A : memref<!tpu.dma_semaphore, #tpu.memory_space<semaphore_mem>>)
          %dma_wait3A_89 = tpu.memref_slice %arg3[%add3A_78] : memref<327680xi32, #tpu.memory_space<hbm>> -> memref<128xi32, #tpu.memory_space<hbm>>
          %dma_wait3A_90 = tpu.memref_slice %arg3[%add3A_78] : memref<327680xi32, #tpu.memory_space<hbm>> -> memref<128xi32, #tpu.memory_space<hbm>>
          tpu.wait_dma2 semaphore(%run_scoped3A : memref<!tpu.dma_semaphore, #tpu.memory_space<semaphore_mem>>) src(%dma_wait3A_90 : memref<128xi32, #tpu.memory_space<hbm>>) dst(%arg7 : memref<128xi32, #tpu.memory_space<vmem>>)
          tpu.yield
        }) : () -> ()
        %add3A_79 = arith.constant 2 : i32
        %add3A_80 = arith.addi %mul3A_52, %add3A_79 : i32
        %mul3A_81 = arith.constant 128 : i32
        %mul3A_82 = arith.muli %add3A_80, %mul3A_81 : i32
        %add3A_83 = arith.addi %select_n3A, %mul3A_82 : i32
        "tpu.region"() ({
          %run_scoped3A = tpu.sem_alloc : memref<!tpu.dma_semaphore, #tpu.memory_space<semaphore_mem>>
          %dma_start3A_87 = tpu.memref_slice %arg4[%add3A_83] : memref<327680xi32, #tpu.memory_space<hbm>> -> memref<128xi32, #tpu.memory_space<hbm>>
          %dma_start3A_88 = tpu.memref_slice %arg4[%add3A_83] : memref<327680xi32, #tpu.memory_space<hbm>> -> memref<128xi32, #tpu.memory_space<hbm>>
          tpu.enqueue_dma source(%dma_start3A_88 : memref<128xi32, #tpu.memory_space<hbm>>) target(%arg8 : memref<128xi32, #tpu.memory_space<vmem>>) target_semaphore(%run_scoped3A : memref<!tpu.dma_semaphore, #tpu.memory_space<semaphore_mem>>)
          %dma_wait3A_89 = tpu.memref_slice %arg4[%add3A_83] : memref<327680xi32, #tpu.memory_space<hbm>> -> memref<128xi32, #tpu.memory_space<hbm>>
          %dma_wait3A_90 = tpu.memref_slice %arg4[%add3A_83] : memref<327680xi32, #tpu.memory_space<hbm>> -> memref<128xi32, #tpu.memory_space<hbm>>
          tpu.wait_dma2 semaphore(%run_scoped3A : memref<!tpu.dma_semaphore, #tpu.memory_space<semaphore_mem>>) src(%dma_wait3A_90 : memref<128xi32, #tpu.memory_space<hbm>>) dst(%arg8 : memref<128xi32, #tpu.memory_space<vmem>>)
          tpu.yield
        }) : () -> ()
        %dma_start3A_84 = arith.constant 0 : i32
        %dma_start3A_85 = arith.constant 0 : i32
        %dma_start3A_86 = tpu.memref_slice %arg2[%dma_start3A_84, %dma_start3A_85] : memref<10000x128xf32, #tpu.memory_space<hbm>> -> memref<10000x128xf32, #tpu.memory_space<hbm>>
        tpu.enqueue_indirect_dma source(%dma_start3A_86 : memref<10000x128xf32, #tpu.memory_space<hbm>>) target(%arg9 : memref<128x128xf32, #tpu.memory_space<vmem>>) offsets(%arg7 : memref<128xi32, #tpu.memory_space<vmem>>) semaphore(%arg14 : memref<!tpu.dma_semaphore, #tpu.memory_space<semaphore_mem>>)
      } else {
      }
      %dma_wait3A_71 = arith.constant 0 : i32
      %dma_wait3A_72 = arith.constant 0 : i32
      %dma_wait3A_73 = tpu.memref_slice %arg2[%dma_wait3A_71, %dma_wait3A_72] : memref<10000x128xf32, #tpu.memory_space<hbm>> -> memref<10000x128xf32, #tpu.memory_space<hbm>>
      tpu.wait_indirect_dma semaphore(%arg15 : memref<!tpu.dma_semaphore, #tpu.memory_space<semaphore_mem>>) src(%dma_wait3A_73 : memref<10000x128xf32, #tpu.memory_space<hbm>>) dst(%arg12 : memref<128x128xf32, #tpu.memory_space<vmem>>)
      "tpu.region"() ({
        %run_scoped3A = tpu.sem_alloc : memref<!tpu.dma_semaphore, #tpu.memory_space<semaphore_mem>>
        %dma_start3A_74 = arith.constant 0 : i32
        %dma_start3A_75 = arith.constant 0 : i32
        %dma_start3A_76 = tpu.memref_slice %arg13[%dma_start3A_74, %dma_start3A_75] : memref<10112x128xf32, #tpu.memory_space<vmem_shared>> -> memref<10112x128xf32, #tpu.memory_space<vmem_shared>>
        tpu.enqueue_indirect_dma source(%arg12 : memref<128x128xf32, #tpu.memory_space<vmem>>) target(%dma_start3A_76 : memref<10112x128xf32, #tpu.memory_space<vmem_shared>>) offsets(%arg11 : memref<128xi32, #tpu.memory_space<vmem>>) semaphore(%run_scoped3A : memref<!tpu.dma_semaphore, #tpu.memory_space<semaphore_mem>>) {add = true}
        %dma_wait3A_77 = arith.constant 0 : i32
        %dma_wait3A_78 = arith.constant 0 : i32
        %dma_wait3A_79 = tpu.memref_slice %arg13[%dma_wait3A_77, %dma_wait3A_78] : memref<10112x128xf32, #tpu.memory_space<vmem_shared>> -> memref<10112x128xf32, #tpu.memory_space<vmem_shared>>
        tpu.wait_indirect_dma semaphore(%run_scoped3A : memref<!tpu.dma_semaphore, #tpu.memory_space<semaphore_mem>>) src(%arg12 : memref<128x128xf32, #tpu.memory_space<vmem>>) dst(%dma_wait3A_79 : memref<10112x128xf32, #tpu.memory_space<vmem_shared>>)
        tpu.yield
      }) : () -> ()
    }
    %barrier3A_42 = arith.constant 0 : index
    tpu.barrier barrier_id(%barrier3A_42)
    %mul3A_43 = arith.constant 632 : i32
    %mul3A_44 = arith.muli %arg1, %mul3A_43 : i32
    %mul3A_45 = arith.constant 10112 : i32
    %mul3A_46 = arith.muli %arg0, %mul3A_45 : i32
    %mul3A_47 = arith.constant 632 : i32
    %mul3A_48 = arith.muli %arg1, %mul3A_47 : i32
    %add3A_49 = arith.addi %mul3A_46, %mul3A_48 : i32
    "tpu.region"() ({
      %run_scoped3A = tpu.sem_alloc : memref<!tpu.dma_semaphore, #tpu.memory_space<semaphore_mem>>
      %dma_start3A_50 = arith.constant 0 : i32
      %dma_start3A_51 = tpu.memref_slice %arg6[%add3A_49, %dma_start3A_50] : memref<20224x128xf32, #tpu.memory_space<hbm>> -> memref<632x128xf32, #tpu.memory_space<hbm>>
      %dma_start3A_52 = arith.constant 0 : i32
      %dma_start3A_53 = tpu.memref_slice %arg13[%mul3A_44, %dma_start3A_52] : memref<10112x128xf32, #tpu.memory_space<vmem_shared>> -> memref<632x128xf32, #tpu.memory_space<vmem_shared>>
      tpu.enqueue_dma source(%dma_start3A_53 : memref<632x128xf32, #tpu.memory_space<vmem_shared>>) target(%dma_start3A_51 : memref<632x128xf32, #tpu.memory_space<hbm>>) target_semaphore(%run_scoped3A : memref<!tpu.dma_semaphore, #tpu.memory_space<semaphore_mem>>)
      %dma_wait3A = arith.constant 0 : i32
      %dma_wait3A_54 = tpu.memref_slice %arg6[%add3A_49, %dma_wait3A] : memref<20224x128xf32, #tpu.memory_space<hbm>> -> memref<632x128xf32, #tpu.memory_space<hbm>>
      %dma_wait3A_55 = arith.constant 0 : i32
      %dma_wait3A_56 = tpu.memref_slice %arg13[%mul3A_44, %dma_wait3A_55] : memref<10112x128xf32, #tpu.memory_space<vmem_shared>> -> memref<632x128xf32, #tpu.memory_space<vmem_shared>>
      tpu.wait_dma2 semaphore(%run_scoped3A : memref<!tpu.dma_semaphore, #tpu.memory_space<semaphore_mem>>) src(%dma_wait3A_56 : memref<632x128xf32, #tpu.memory_space<vmem_shared>>) dst(%dma_wait3A_54 : memref<632x128xf32, #tpu.memory_space<hbm>>)
      tpu.yield
    }) : () -> ()
    return
  }
}

module attributes {stable_mosaic.version = 14 : i64} {
  func.func @_tc_xws_body(%arg0: i32, %arg1: memref<1000x128xf32, #tpu.memory_space<vmem>>, %arg2: memref<128x128xf32, #tpu.memory_space<vmem>>, %arg3: memref<1000x32xf32, #tpu.memory_space<vmem>>, %arg4: memref<1000x128xf32, #tpu.memory_space<vmem>>, %arg5: memref<1000x1xf32, #tpu.memory_space<vmem>>) attributes {dimension_semantics = [#tpu.dimension_semantics<arbitrary>], iteration_bounds = array<i64: 10>, scalar_prefetch = 0 : i64, scratch_operands = 0 : i64, tpu.core_type = #tpu.core_type<tc>, window_params = [{transform_indices = @transform_0, window_bounds = array<i64: 1000, 128>}, {pipeline_mode = #tpu.pipeline_mode<synchronous>, transform_indices = @transform_1, window_bounds = array<i64: 128, 128>}, {transform_indices = @transform_2, window_bounds = array<i64: 1000, 32>}, {transform_indices = @transform_3, window_bounds = array<i64: 1000, 128>}, {transform_indices = @transform_4, window_bounds = array<i64: 1000, 1>}]} {
    %get3A = arith.constant 0 : index
    %get3A_0 = arith.constant 0 : index
    %get3A_1 = vector.load %arg3[%get3A, %get3A_0] : memref<1000x32xf32, #tpu.memory_space<vmem>>, vector<1000x32xf32>
    %reduce_sum3A = arith.constant dense<0.000000e+00> : vector<1000xf32>
    %reduce_sum3A_2 = vector.multi_reduction <add>, %get3A_1, %reduce_sum3A [1] : vector<1000x32xf32> to vector<1000xf32>
    %broadcast_in_dim3A = vector.shape_cast %reduce_sum3A_2 : vector<1000xf32> to vector<1000x1xf32>
    %add3A = arith.constant 1.000000e+00 : f32
    %add3A_3 = vector.broadcast %add3A : f32 to vector<1000x1xf32>
    %add3A_4 = arith.addf %broadcast_in_dim3A, %add3A_3 : vector<1000x1xf32>
    %rsqrt3A = math.rsqrt %add3A_4 : vector<1000x1xf32>
    %get3A_5 = arith.constant 0 : index
    %get3A_6 = arith.constant 0 : index
    %get3A_7 = vector.load %arg1[%get3A_5, %get3A_6] : memref<1000x128xf32, #tpu.memory_space<vmem>>, vector<1000x128xf32>
    %get3A_8 = arith.constant 0 : index
    %get3A_9 = arith.constant 0 : index
    %get3A_10 = vector.load %arg2[%get3A_8, %get3A_9] : memref<128x128xf32, #tpu.memory_space<vmem>>, vector<128x128xf32>
    %dot_general3A = arith.constant dense<0.000000e+00> : vector<1000x128xf32>
    %dot_general3A_11 = tpu.matmul %get3A_7, %get3A_10, %dot_general3A {dimension_numbers = #tpu.dot_dimension_numbers<[1], [0], [0], [1], [0, 0, 1, 1], [], []>, transpose_lhs_hint = false} : vector<1000x128xf32>, vector<128x128xf32>, vector<1000x128xf32> -> vector<1000x128xf32>
    %mul3A = vector.broadcast %rsqrt3A : vector<1000x1xf32> to vector<1000x128xf32>
    %mul3A_12 = arith.mulf %dot_general3A_11, %mul3A : vector<1000x128xf32>
    %swap3A = arith.constant 0 : index
    %swap3A_13 = arith.constant 0 : index
    %swap3A_14 = vector.load %arg4[%swap3A, %swap3A_13] : memref<1000x128xf32, #tpu.memory_space<vmem>>, vector<1000x128xf32>
    tpu.vector_store %arg4[%swap3A, %swap3A_13], %mul3A_12 {strides = array<i32>} : memref<1000x128xf32, #tpu.memory_space<vmem>>, vector<1000x128xf32>,
    %swap3A_15 = arith.constant 0 : index
    %swap3A_16 = arith.constant 0 : index
    %swap3A_17 = vector.load %arg5[%swap3A_15, %swap3A_16] : memref<1000x1xf32, #tpu.memory_space<vmem>>, vector<1000x1xf32>
    tpu.vector_store %arg5[%swap3A_15, %swap3A_16], %rsqrt3A {strides = array<i32>} : memref<1000x1xf32, #tpu.memory_space<vmem>>, vector<1000x1xf32>,
    return
  }
  func.func @transform_0(%arg0: i32) -> (i32, i32) {
    %c0_i32 = arith.constant 0 : i32
    %c0_i32_0 = arith.constant 0 : i32
    return %arg0, %c0_i32 : i32, i32
  }
  func.func @transform_1(%arg0: i32) -> (i32, i32) {
    %c0_i32 = arith.constant 0 : i32
    %c0_i32_0 = arith.constant 0 : i32
    %c0_i32_1 = arith.constant 0 : i32
    return %c0_i32, %c0_i32_0 : i32, i32
  }
  func.func @transform_2(%arg0: i32) -> (i32, i32) {
    %c0_i32 = arith.constant 0 : i32
    %c0_i32_0 = arith.constant 0 : i32
    return %arg0, %c0_i32 : i32, i32
  }
  func.func @transform_3(%arg0: i32) -> (i32, i32) {
    %c0_i32 = arith.constant 0 : i32
    %c0_i32_0 = arith.constant 0 : i32
    return %arg0, %c0_i32 : i32, i32
  }
  func.func @transform_4(%arg0: i32) -> (i32, i32) {
    %c0_i32 = arith.constant 0 : i32
    %c0_i32_0 = arith.constant 0 : i32
    return %arg0, %c0_i32 : i32, i32
  }
}

module attributes {stable_mosaic.version = 14 : i64} {
  func.func @_tc_final_body(%arg0: i32, %arg1: memref<1000x128xf32, #tpu.memory_space<vmem>>, %arg2: memref<1000x128xf32, #tpu.memory_space<vmem>>, %arg3: memref<1000x128xf32, #tpu.memory_space<vmem>>, %arg4: memref<1000x1xf32, #tpu.memory_space<vmem>>, %arg5: memref<1x128xf32, #tpu.memory_space<vmem>>, %arg6: memref<1000x128xf32, #tpu.memory_space<vmem>>, %arg7: memref<1000x128xf32, #tpu.memory_space<vmem>>) attributes {dimension_semantics = [#tpu.dimension_semantics<arbitrary>], iteration_bounds = array<i64: 10>, scalar_prefetch = 0 : i64, scratch_operands = 0 : i64, tpu.core_type = #tpu.core_type<tc>, window_params = [{transform_indices = @transform_0, window_bounds = array<i64: 1000, 128>}, {transform_indices = @transform_1, window_bounds = array<i64: 1000, 128>}, {transform_indices = @transform_2, window_bounds = array<i64: 1000, 128>}, {transform_indices = @transform_3, window_bounds = array<i64: 1000, 1>}, {pipeline_mode = #tpu.pipeline_mode<synchronous>, transform_indices = @transform_4, window_bounds = array<i64: 1, 128>}, {transform_indices = @transform_5, window_bounds = array<i64: 1000, 128>}, {transform_indices = @transform_6, window_bounds = array<i64: 1000, 128>}]} {
    %get3A = arith.constant 0 : index
    %get3A_0 = arith.constant 0 : index
    %get3A_1 = vector.load %arg4[%get3A, %get3A_0] : memref<1000x1xf32, #tpu.memory_space<vmem>>, vector<1000x1xf32>
    %get3A_2 = arith.constant 0 : index
    %get3A_3 = arith.constant 0 : index
    %get3A_4 = vector.load %arg1[%get3A_2, %get3A_3] : memref<1000x128xf32, #tpu.memory_space<vmem>>, vector<1000x128xf32>
    %get3A_5 = arith.constant 0 : index
    %get3A_6 = arith.constant 0 : index
    %get3A_7 = vector.load %arg2[%get3A_5, %get3A_6] : memref<1000x128xf32, #tpu.memory_space<vmem>>, vector<1000x128xf32>
    %add3A = arith.addf %get3A_4, %get3A_7 : vector<1000x128xf32>
    %get3A_8 = arith.constant 0 : index
    %get3A_9 = arith.constant 0 : index
    %get3A_10 = vector.load %arg3[%get3A_8, %get3A_9] : memref<1000x128xf32, #tpu.memory_space<vmem>>, vector<1000x128xf32>
    %add3A_11 = arith.addf %add3A, %get3A_10 : vector<1000x128xf32>
    %mul3A = vector.broadcast %get3A_1 : vector<1000x1xf32> to vector<1000x128xf32>
    %mul3A_12 = arith.mulf %mul3A, %add3A_11 : vector<1000x128xf32>
    %get3A_13 = arith.constant 0 : index
    %get3A_14 = arith.constant 0 : index
    %get3A_15 = vector.load %arg5[%get3A_13, %get3A_14] : memref<1x128xf32, #tpu.memory_space<vmem>>, vector<1x128xf32>
    %add3A_16 = vector.broadcast %get3A_15 : vector<1x128xf32> to vector<1000x128xf32>
    %add3A_17 = arith.addf %mul3A_12, %add3A_16 : vector<1000x128xf32>
    %reduce_max3A = arith.constant dense<0xFF800000> : vector<1000xf32>
    %reduce_max3A_18 = vector.multi_reduction <maximumf>, %add3A_17, %reduce_max3A [1] : vector<1000x128xf32> to vector<1000xf32>
    %broadcast_in_dim3A = vector.shape_cast %reduce_max3A_18 : vector<1000xf32> to vector<1000x1xf32>
    %sub3A = vector.broadcast %broadcast_in_dim3A : vector<1000x1xf32> to vector<1000x128xf32>
    %sub3A_19 = arith.subf %add3A_17, %sub3A : vector<1000x128xf32>
    %exp3A = math.exp %sub3A_19 : vector<1000x128xf32>
    %reduce_sum3A = arith.constant dense<0.000000e+00> : vector<1000xf32>
    %reduce_sum3A_20 = vector.multi_reduction <add>, %exp3A, %reduce_sum3A [1] : vector<1000x128xf32> to vector<1000xf32>
    %broadcast_in_dim3A_21 = vector.shape_cast %reduce_sum3A_20 : vector<1000xf32> to vector<1000x1xf32>
    %log3A = math.log %broadcast_in_dim3A_21 : vector<1000x1xf32>
    %add3A_22 = arith.addf %log3A, %broadcast_in_dim3A : vector<1000x1xf32>
    %sub3A_23 = vector.broadcast %add3A_22 : vector<1000x1xf32> to vector<1000x128xf32>
    %sub3A_24 = arith.subf %add3A_17, %sub3A_23 : vector<1000x128xf32>
    %swap3A = arith.constant 0 : index
    %swap3A_25 = arith.constant 0 : index
    %swap3A_26 = vector.load %arg6[%swap3A, %swap3A_25] : memref<1000x128xf32, #tpu.memory_space<vmem>>, vector<1000x128xf32>
    tpu.vector_store %arg6[%swap3A, %swap3A_25], %sub3A_24 {strides = array<i32>} : memref<1000x128xf32, #tpu.memory_space<vmem>>, vector<1000x128xf32>,
    %swap3A_27 = arith.constant 0 : index
    %swap3A_28 = arith.constant 0 : index
    %swap3A_29 = vector.load %arg7[%swap3A_27, %swap3A_28] : memref<1000x128xf32, #tpu.memory_space<vmem>>, vector<1000x128xf32>
    tpu.vector_store %arg7[%swap3A_27, %swap3A_28], %add3A_17 {strides = array<i32>} : memref<1000x128xf32, #tpu.memory_space<vmem>>, vector<1000x128xf32>,
    return
  }
  func.func @transform_0(%arg0: i32) -> (i32, i32) {
    %c0_i32 = arith.constant 0 : i32
    %c0_i32_0 = arith.constant 0 : i32
    return %arg0, %c0_i32 : i32, i32
  }
  func.func @transform_1(%arg0: i32) -> (i32, i32) {
    %c0_i32 = arith.constant 0 : i32
    %c0_i32_0 = arith.constant 0 : i32
    return %arg0, %c0_i32 : i32, i32
  }
  func.func @transform_2(%arg0: i32) -> (i32, i32) {
    %c0_i32 = arith.constant 0 : i32
    %c0_i32_0 = arith.constant 0 : i32
    return %arg0, %c0_i32 : i32, i32
  }
  func.func @transform_3(%arg0: i32) -> (i32, i32) {
    %c0_i32 = arith.constant 0 : i32
    %c0_i32_0 = arith.constant 0 : i32
    return %arg0, %c0_i32 : i32, i32
  }
  func.func @transform_4(%arg0: i32) -> (i32, i32) {
    %c0_i32 = arith.constant 0 : i32
    %c0_i32_0 = arith.constant 0 : i32
    %c0_i32_1 = arith.constant 0 : i32
    return %c0_i32, %c0_i32_0 : i32, i32
  }
  func.func @transform_5(%arg0: i32) -> (i32, i32) {
    %c0_i32 = arith.constant 0 : i32
    %c0_i32_0 = arith.constant 0 : i32
    return %arg0, %c0_i32 : i32, i32
  }
  func.func @transform_6(%arg0: i32) -> (i32, i32) {
    %c0_i32 = arith.constant 0 : i32
    %c0_i32_0 = arith.constant 0 : i32
    return %arg0, %c0_i32 : i32, i32
  }
}

</mosaic_0001>

<sc_bundles>
// kernel: kernel.6.cloned.1.call-start
scs
__scs_entry_jumppad:
0x0: {  	(pc) =	sbr.rel $0x88, $3  }
0x1: {  	(tag) =	ssettag $0x0;
	lr =	simm.s32 $0x1  }
0x2: {  	[smem:$0x3F9D] =	sst lr;
	_ =	strace $0xD0000000  }
0x3: {  	_ = 	snop  }
0x4: {  	_ = 	snop  }
0x5: {  	_ = 	snop  }
0x6: {  	_ = 	snop  }
0x7: {  	_ = 	snop  }
__scs_overlays_trampoline_lowered:
0x8: {  	[smem:$0x3FAC] =	sst s0  }
0x9: {  	[smem:$0x3FAD] =	sst s1  }
0xa: {  	[smem:$0x3FAE] =	sst s2  }
0xb: {  	[smem:$0x3FAF] =	sst s3  }
0xc: {  	[smem:$0x3FB0] =	sst s4  }
0xd: {  	[smem:$0x3FB1] =	sst s5  }
0xe: {  	[smem:$0x3FB2] =	sst s6  }
0xf: {  	[smem:$0x3FB3] =	sst s7  }
0x10: {  	[smem:$0x3FB4] =	sst s8  }
0x11: {  	[smem:$0x3FB5] =	sst s9;
	s0 =	simm.s32 @!p0 $0x0  }
0x12: {  	s1 =	sld [smem:$0x3F9B];
	s0 =	simm.s32 @p0 $0x1  }
0x13: {  	[smem:$0x3FB6] =	sst s0;
	s0 =	simm.s32 @!p1 $0x0  }
0x14: {  	s2 =	sld [smem:$0x3F9A];
	s0 =	simm.s32 @p1 $0x1  }
0x15: {  	[smem:$0x3FB7] =	sst s0;
	s0 =	simm.s32 @!p2 $0x0  }
0x16: {  	s3 =	sld [smem:$0x3FDB];
	s0 =	simm.s32 @p2 $0x1  }
0x17: {  	s4 =	simm.s32 $0x1BF5;
	[smem:$0x3FB9] =	sst s0  }
0x18: {  	s0 =	sld [smem:$0x3F9C];
	_ =	swait.ge [sflag:s4], $0x0  }
0x19: {  	s7 =	sld [smem:$0x3F9D]  }
0x1a: {  	s8 =	sadd.s32 $0xFFFFE003, lr  }
0x1b: {  	s9 =	sadd.s32 $0xFFFFFEF7, lr;
	s5 =	simm.s32 $0xFFFFFFFF;
	p2 =	slt.u32 s8, $0xFFFFF086  }
0x1c: {  	p1 =	slt.u32 s9, $0xF7A;
	s5 =	simm.s32 @!p2 $0x0  }
0x1d: {  	s5 =	simm.s32 @p1 $0x1;
	p0 =	seq.s32 s7, s2  }
0x1e: {  	s7 =	smul.u32 @!p0 $0xF7A, s2;
	p2 =	seq.s32 @!p0 s5, $0x0  }
0x1f: {  	s9 =	smul.u32 $0xF7A, s1;
	s8 =	simm.s32 @!p0 $0x1BF5;
	p2 =	por !p2, p0  }
0x20: {  	[sflag:s8] =	ssyncset.s32 @!p0 $0xFFFFF086;
	s6 =	sadd.s32 @!p0 s3, s7;
	s7 =	simm.s32 @!p0 $0x108  }
0x21: {  	s3 =	sadd.s32 s3, s9;
	s6 =	sadd.s32 @!p0 $0x88, s6;
	s7 =	simm.s32 @p2 $0x1082  }
0x22: {  	[simem:s7], [sflag:s8] =	dma.local @!p0 [hbm:s6], $0xF7A  }
0x23: {  	s9 =	sor.u32 $0xD0000000, s2;
	s6 =	simm.s32 $0x108;
	_ =	swait.ge @!p0 [sflag:s8], $0x0  }
0x24: {  	s3 =	sadd.s32 $0x88, s3;
	s6 =	simm.s32 @!p1 $0x1082;
	[sflag:s4] =	ssyncset.s32 $0xFFFFF086  }
0x25: {  	[simem:s6], [sflag:s4] =	dma.local [hbm:s3], $0xF7A  }
0x26: {  	[smem:$0x3F9D] =	sst s1;
	(tag) =	ssettag s2;
	_ =	strace s9  }
0x27: {  	s1 =	sld [smem:$0x3FAD]  }
0x28: {  	s2 =	sld [smem:$0x3FAE]  }
0x29: {  	s4 =	sld [smem:$0x3FB0]  }
0x2a: {  	p0 =	seq.s32 s5, $0x0;
	s5 =	sld [smem:$0x3FB1]  }
0x2b: {  	s6 =	sld [smem:$0x3FB2]  }
0x2c: {  	s7 =	sld [smem:$0x3FB3]  }
0x2d: {  	s3 =	simm.s32 $0x108;
	s8 =	sld [smem:$0x3FB4]  }
0x2e: {  	s3 =	simm.s32 @!p0 $0x1082;
	s9 =	sld [smem:$0x3FB5]  }
0x2f: {  	lr =	sadd.s32 s0, s3;
	s0 =	sld [smem:$0x3FAC]  }
0x30: {  	s3 =	sld [smem:$0x3FAF]  }
0x31: {  	[smem:$0x3FB8] =	sst s10  }
0x32: {  	s10 =	sld [smem:$0x3FB6];
	_ =	sdelay $0x3  }
0x33: {  	p0 =	seq.s32 s10, $0x1;
	s10 =	sld [smem:$0x3FB8];
	_ =	sdelay $0x3  }
0x34: {  	[smem:$0x3FB8] =	sst s10  }
0x35: {  	s10 =	sld [smem:$0x3FB7];
	_ =	sdelay $0x3  }
0x36: {  	p1 =	seq.s32 s10, $0x1;
	s10 =	sld [smem:$0x3FB8];
	_ =	sdelay $0x3  }
0x37: {  	[smem:$0x3FB8] =	sst s10  }
0x38: {  	s10 =	sld [smem:$0x3FB9]  }
0x39: {  	_ = 	snop;
	(pc) =	sbr.ind lr, $3  }
0x3a: {  	_ = 	snop  }
0x3b: {  	_ = 	snop  }
0x3c: {  	p2 =	seq.s32 s10, $0x1;
	s10 =	sld [smem:$0x3FB8]  }
0x3d: {  	_ =	shalt  }
0x3e: {  	_ =	shalt  }
0x3f: {  	_ =	shalt  }
0x40: {  	_ =	shalt  }
0x41: {  	_ =	shalt  }
0x42: {  	_ =	shalt  }
0x43: {  	_ =	shalt  }
0x44: {  	_ =	shalt  }
0x45: {  	_ =	shalt  }
0x46: {  	_ =	shalt  }
0x47: {  	_ =	shalt  }
0x48: {  	_ =	shalt  }
0x49: {  	_ =	shalt  }
0x4a: {  	_ =	shalt  }
0x4b: {  	_ =	shalt  }
0x4c: {  	_ =	shalt  }
0x4d: {  	_ =	shalt  }
0x4e: {  	_ =	shalt  }
0x4f: {  	_ =	shalt  }
0x50: {  	_ =	shalt  }
0x51: {  	_ =	shalt  }
0x52: {  	_ =	shalt  }
0x53: {  	_ =	shalt  }
0x54: {  	_ =	shalt  }
0x55: {  	_ =	shalt  }
0x56: {  	_ =	shalt  }
0x57: {  	_ =	shalt  }
0x58: {  	_ =	shalt  }
0x59: {  	_ =	shalt  }
0x5a: {  	_ =	shalt  }
0x5b: {  	_ =	shalt  }
0x5c: {  	_ =	shalt  }
0x5d: {  	_ =	shalt  }
0x5e: {  	_ =	shalt  }
0x5f: {  	_ =	shalt  }
0x60: {  	_ =	shalt  }
0x61: {  	_ =	shalt  }
0x62: {  	_ =	shalt  }
0x63: {  	_ =	shalt  }
0x64: {  	_ =	shalt  }
0x65: {  	_ =	shalt  }
0x66: {  	_ =	shalt  }
0x67: {  	_ =	shalt  }
0x68: {  	_ =	shalt  }
0x69: {  	_ =	shalt  }
0x6a: {  	_ =	shalt  }
0x6b: {  	_ =	shalt  }
0x6c: {  	_ =	shalt  }
0x6d: {  	_ =	shalt  }
0x6e: {  	_ =	shalt  }
0x6f: {  	_ =	shalt  }
0x70: {  	_ =	shalt  }
0x71: {  	_ =	shalt  }
0x72: {  	_ =	shalt  }
0x73: {  	_ =	shalt  }
0x74: {  	_ =	shalt  }
0x75: {  	_ =	shalt  }
0x76: {  	_ =	shalt  }
0x77: {  	_ =	shalt  }
0x78: {  	_ =	shalt  }
0x79: {  	_ =	shalt  }
0x7a: {  	_ =	shalt  }
0x7b: {  	_ =	shalt  }
0x7c: {  	_ =	shalt  }
0x7d: {  	_ =	shalt  }
0x7e: {  	_ =	shalt  }
0x7f: {  	_ =	shalt  }
0x80: {  	_ =	shalt  }
0x81: {  	_ =	shalt  }
0x82: {  	_ =	shalt  }
0x83: {  	_ =	shalt  }
0x84: {  	_ =	shalt  }
0x85: {  	_ =	shalt  }
0x86: {  	_ =	shalt  }
0x87: {  	_ =	shalt  }
.Lfunc_end0:
.L_simem_size_0:
called_computation_lowered:
.L_overlay_start_0:
0x88: {  	s2 =	sld [smem:$0x3FD9]  }
0x89: {  	s3 =	sld [smem:$0x3FFE];
	_ =	sdelay $0x1  }
0x8a: {  	s1 =	srdreg.scid  }
0x8b: {  	s0 =	sand.u32 $0x1, s1  }
0x8c: {  	s14 =	sshll.u32 s0, $0xA;
	s2 =	sadd.s32 s3, s2  }
0x8d: {  	s2 =	sadd.s32 s2, s14  }
0x8e: {  	[smem:$0x3FC4] =	sst s2  }
0x8f: {  	_ = 	snop  }
0x90: {  	s2 =	sld [smem:$0x3FD0];
	_ =	sdelay $0x2  }
0x91: {  	s15 =	simm.s32 $0xA;
	s4 =	simm.s32 $0x10  }
0x92: {  	[smem:s4], [sflag:s15] =	dma.local [hbm:s2], $0x1  }
0x93: {  	_ =	swait.eq [sflag:s15], $0x1  }
0x94: {  	[sflag:s15] =	ssyncset.done $0x0  }
0x95: {  	s16 =	sld [smem:$0x10];
	[sflag:s15] =	ssyncadd.s32 $0xFFFFFFFF  }
0x96: {  	s17 =	sld [smem:$0x11];
	(tm) =	ssettm $0x1  }
0x97: {  	s18 =	sld [smem:$0x3FFB];
	_ =	sdelay $0x3  }
0x98: {  	_ =	strace s18  }
0x99: {  	s4 =	sld [smem:$0x3FFC];
	_ =	sdelay $0x3  }
0x9a: {  	_ =	strace s4  }
0x9b: {  	s4 =	sld [smem:$0x3FFD];
	_ =	sdelay $0x3  }
0x9c: {  	_ =	strace s4  }
0x9d: {  	_ =	strace $0x8FFFFFFF  }
0x9e: {  	s19 =	sld [smem:$0x3FDB];
	_ =	sdelay $0x1  }
0x9f: {  	s5 =	simm.s32 $_scs_section_size  }
0xa0: {  	s6 =	simm.s32 $_size__tile_overlayer_lowered;
	s7 =	simm.s32 $_tile_overlayer_lowered  }
0xa1: {  	s22 =	simm.s32 $0x1BFF;
	s21 =	sshll.u32 s7, $0x1;
	s4 =	sadd.s32 s5, s19  }
0xa2: {  	s8 =	simm.s32 $0x0;
	s20 =	sshll.u32 s6, $0x1;
	s6 =	sadd.s32 s21, s4  }
0xa3: {  	[timem:s8], [sflag:s22] =	dma.local [hbm:s6], s20  }
0xa4: {  	_ =	swait.ge [sflag:s22], s20  }
0xa5: {  	s5 =	ssub.s32 $0x0, s20;
	[sflag:s22] =	ssyncset.done $0x0  }
0xa6: {  	[sflag:s22] =	ssyncadd.s32 s5;
	_ =	sdelay $0x1  }
0xa7: {  	s23 =	simm.s32 $0x1B8B  }
0xa8: {  	_ =	swait.ge [sflag:s23], $0x1  }
0xa9: {  	[sflag:s23] =	ssyncset.done $0x0  }
0xaa: {  	s25 =	simm.s32 $0x1B8E;
	s24 =	sld [smem:$0x3FFE];
	[sflag:s23] =	ssyncadd.s32 $0xFFFFFFFF  }
0xab: {  	s26 =	simm.s32 $execute0_lowered;
	[smem:$0x3FD2] =	sst s25  }
0xac: {  	s6 =	sshll.u32 s26, $0x1;
	_ =	strace $0x80000046;
	[dreg:$0x1] =	wrdreg $0xFFFFFFFF  }
0xad: {  	s28 =	simm.s32 $_size_execute0_lowered;
	s4 =	sadd.s32 s4, s6;
	[dreg:$0x0] =	wrdreg $0x0  }
0xae: {  	s6 =	sshll.u32 s28, $0x1;
	[dreg:$0x2] =	wrdreg s4  }
0xaf: {  	[dreg:$0x3] =	wrdreg s6  }
0xb0: {  	[dreg:$0x4] =	wrdreg $0xC0  }
0xb1: {  	_ =	task [dreg:s8], $0x5FFFF  }
0xb2: {  	[dreg:$0x1] =	wrdreg $0xFFFFFFFF  }
0xb3: {  	[dreg:$0x0] =	wrdreg $0x60  }
0xb4: {  	[dreg:$0x2] =	wrdreg s16  }
0xb5: {  	[dreg:$0x3] =	wrdreg s24  }
0xb6: {  	[dreg:$0x4] =	wrdreg s17  }
0xb7: {  	[dreg:$0x5] =	wrdreg $0x9  }
0xb8: {  	_ =	task.clear_ibuf [dreg:s8], $0x6FFFF;
	_ =	strace $0x90000046  }
0xb9: {  	s29 =	simm.s32 $0x9;
	_ =	strace $0x80000048  }
0xba: {  	_ =	swait.ge [sflag:s29], $0x1  }
0xbb: {  	[sflag:s29] =	ssyncadd.s32 $0xFFFFFFFF  }
0xbc: {  	_ =	strace $0x90000048  }
0xbd: {  	_ =	sfence  }
0xbe: {  	s30 =	sld [smem:$0x0];
	_ =	sdelay $0x2  }
0xbf: {  	s31 =	sshll.u32 s1, $0xD;
	s1 =	sshrl.u32 s1, $0x2  }
0xc0: {  	s3 =	sand.u32 $0x4000, s31;
	s1 =	sadd.s32 s1, s30  }
0xc1: {  	s0 =	sor.u32 s3, s0;
	s1 =	sshll.u32 s1, $0x11  }
0xc2: {  	s0 =	sor.u32 s1, s0  }
0xc3: {  	s0 =	sadd.s32 $0x8F2B, s0  }
0xc4: {  	[sflag:s0] =	ssyncadd.remote.s32 $0x1  }
0xc5: {  	_ =	sfence.sel $0xFFFF  }
0xc6: {  	[dreg:$0x0] =	wrdreg $0xFFFFFFFF;
	(pc) =	sbr.abs _section_cstart, $3  }
0xc7: {  	[dreg:$0x1] =	wrdreg $0xFFFFFFFF  }
0xc8: {  	_ =	task.clear_ibuf [dreg:s8], $0x2FFFF;
	_ =	strace $0x9FFFFFFF  }
0xc9: {  	(tm) =	ssettm $0x7FFFFFFF  }
tec
execute0_lowered:
.L_overlay_start_1:
0x0: {  	(tag) =	ssettag $0x1  }
0x1: {  	s4 =	rddreg [dreg:$0x0]  }
0x2: {  	s0 =	srdreg.scid;
	s5 =	rddreg [dreg:$0x1]  }
0x3: {  	s6 =	rddreg [dreg:$0x2];
	s3 =	sand.u32 $0x1, s0  }
0x4: {  	s0 =	stileid.u32;
	s1 =	sshll.u32 s3, $0x4;
	s10 =	smul.u32 $0x5000, s3  }
0x5: {  	s7 =	ssub.s32 $0x2, s3;
	s31 =	smul.u32 $0x500, s0;
	s3 =	sadd.s32 $0x1400, s5  }
0x6: {  	s2 =	sor.u32 s0, s1;
	s1 =	rddreg [dreg:$0x3];
	s9 =	sshrl.u32 s7, $0x1  }
0x7: {  	s8 =	smul.u32 $0x4F0, s2;
	s2 =	simm.s32 $0x0;
	s7 =	ssub.s32 s7, s9  }
0x8: {  	s10 =	sadd.s32 s10, s4;
	s9 =	simm.s32 $0x0;
	[smem:$0x7FF] =	sst s2  }
0x9: {  	s5 =	smax.u32 s7, $0x1;
	s7 =	simm.s32 $0x80;
	_ =	strace $0x80000047  }
0xa: {  	v0 =	vimm.f32 $1.000000000e+00;
	s4 =	sadd.s32 s6, s8;
	s6 =	sadd.s32 s31, s10;
	s8 =	simm.s32 $0x1  }
.LBB2_1:
0xb: {  	[tilespmem:s7], [sflag:$0x1] =	stream.linear.gather [hbm4b:s3+s2], $0x2780, $0x38;
	[tilespmem:$0x2800] =	vst v63  }
0xc: {  	_ =	swait.ge [sflag:s8], $0x2780  }
0xd: {  	[sflag:s8] =	ssyncset.done $0x0  }
0xe: {  	s10 =	simm.s32 $0x0;
	[sflag:s8] =	ssyncadd.s32 $0xFFFFD880  }
.LBB2_2:
0xf: {  	s11 =	sadd.s32 s10, s6  }
0x10: {  	[tilespmem:s2], [sflag:$0x1] =	stream.linear.gather [hbm4b:s11+s2], $0x80, $0x38;
	[tilespmem:$0x2800] =	vst v63  }
0x11: {  	_ =	swait.ge [sflag:s8], $0x80  }
0x12: {  	[sflag:s8] =	ssyncset.done $0x0  }
0x13: {  	[sflag:s8] =	ssyncadd.s32 $0xFFFFFF80  }
0x14: {  	v1 =	vld [tilespmem:$0x0];
	_ =	sdelay $0x7  }
0x15: {  	[tilespmem:v1+s7+$0x0] =	vst.idx.add.f32.msk $0xffff, v0  }
0x16: {  	v1 =	vld [tilespmem:$0x10];
	_ =	sdelay $0x7  }
0x17: {  	[tilespmem:v1+s7+$0x0] =	vst.idx.add.f32.msk $0xffff, v0  }
0x18: {  	v1 =	vld [tilespmem:$0x20];
	_ =	sdelay $0x7  }
0x19: {  	[tilespmem:v1+s7+$0x0] =	vst.idx.add.f32.msk $0xffff, v0  }
0x1a: {  	v1 =	vld [tilespmem:$0x30];
	_ =	sdelay $0x7  }
0x1b: {  	[tilespmem:v1+s7+$0x0] =	vst.idx.add.f32.msk $0xffff, v0  }
0x1c: {  	v1 =	vld [tilespmem:$0x40];
	_ =	sdelay $0x7  }
0x1d: {  	[tilespmem:v1+s7+$0x0] =	vst.idx.add.f32.msk $0xffff, v0  }
0x1e: {  	v1 =	vld [tilespmem:$0x50];
	_ =	sdelay $0x7  }
0x1f: {  	[tilespmem:v1+s7+$0x0] =	vst.idx.add.f32.msk $0xffff, v0  }
0x20: {  	v1 =	vld [tilespmem:$0x60];
	_ =	sdelay $0x7  }
0x21: {  	[tilespmem:v1+s7+$0x0] =	vst.idx.add.f32.msk $0xffff, v0  }
0x22: {  	v1 =	vld [tilespmem:$0x70];
	_ =	sdelay $0x2  }
0x23: {  	p0 =	sne.s32 s10, $0x4F0  }
.Ltmp0:
0x24: {  	_ = 	snop;
	(pc) =	sbr.rel @p0 .LBB2_2-.Ltmp0, $2  }
0x25: {  	_ =	sdelay $0x2  }
0x26: {  	s10 =	sadd.s32 $0x10, s10;
	[tilespmem:v1+s7+$0x0] =	vst.idx.add.f32.msk $0xffff, v0  }
0x27: {  	s9 =	sadd.s32 $0x1, s9  }
0x28: {  	p0 =	sne.s32 s9, s5  }
.Ltmp1:
0x29: {  	_ = 	snop;
	(pc) =	sbr.rel @p0 .LBB2_1-.Ltmp1, $4  }
0x2a: {  	[hbm4b:s4+s2] =	stream.linear.scatter [tilespmem:s7], [sflag:$0x1], $0x2780, $0x38;
	[tilespmem:$0x2800] =	vst v63  }
0x2b: {  	_ =	swait.ge [sflag:s8], $0x2780  }
0x2c: {  	[sflag:s8] =	ssyncset.done $0x0  }
0x2d: {  	[sflag:s8] =	ssyncadd.s32 $0xFFFFD880  }
0x2e: {  	_ =	sfence.sel $0x180000  }
0x2f: {  	[bflag:$0x0] =	sbarrier.arrive $0xFFFF  }
0x30: {  	p0 =	sne.s32 s0, $0x0;
	_ =	strace $0x90000047  }
0x31: {  	s0 =	sadd.s32 @!p0 $0x100000, s1;
	[bflag:$0x2] =	sbarrier.arrive $0xFFFF  }
0x32: {  	[sflag:s0] =	ssyncadd.tile.s32 @!p0 $0x1;
	_ =	shalt  }
.Lfunc_end2:
_tile_overlayer_lowered:
.L_overlay_start_2:
0x33: {  	(tag) =	ssettag $0x2  }
0x34: {  	s0 =	rddreg [dreg:$0x0];
	s2 =	stileid.u32  }
0x35: {  	s1 =	rddreg [dreg:$0x1];
	p0 =	sne.s32 s2, $0x0  }
0x36: {  	s3 =	rddreg [dreg:$0x2];
	[bflag:$0x3] =	sbarrier.arrive $0xFFFF;
	s2 =	simm.s32 @!p0 $0x1C01  }
0x37: {  	[timem:s3], [sflag:s2] =	dma.local @!p0 [hbm:s0], s1  }
0x38: {  	s0 =	simm.s32 @!p0 $0x1  }
0x39: {  	_ =	swait.ge @!p0 [sflag:s0], s1  }
0x3a: {  	s1 =	ssub.s32 @!p0 $0x0, s1;
	[sflag:s0] =	ssyncset.done @!p0 $0x0  }
0x3b: {  	[sflag:s0] =	ssyncadd.s32 @!p0 s1  }
0x3c: {  	[bflag:$0x3] =	sbarrier.arrive $0xFFFF  }
0x3d: {  	_ =	shalt  }

// kernel: kernel.9.cloned.1.call-start
scs
__scs_entry_jumppad:
0x0: {  	(pc) =	sbr.rel $0x88, $3  }
0x1: {  	(tag) =	ssettag $0x0;
	lr =	simm.s32 $0x1  }
0x2: {  	[smem:$0x3F9D] =	sst lr;
	_ =	strace $0xD0000000  }
0x3: {  	_ = 	snop  }
0x4: {  	_ = 	snop  }
0x5: {  	_ = 	snop  }
0x6: {  	_ = 	snop  }
0x7: {  	_ = 	snop  }
__scs_overlays_trampoline_lowered:
0x8: {  	[smem:$0x3FAC] =	sst s0  }
0x9: {  	[smem:$0x3FAD] =	sst s1  }
0xa: {  	[smem:$0x3FAE] =	sst s2  }
0xb: {  	[smem:$0x3FAF] =	sst s3  }
0xc: {  	[smem:$0x3FB0] =	sst s4  }
0xd: {  	[smem:$0x3FB1] =	sst s5  }
0xe: {  	[smem:$0x3FB2] =	sst s6  }
0xf: {  	[smem:$0x3FB3] =	sst s7  }
0x10: {  	[smem:$0x3FB4] =	sst s8  }
0x11: {  	[smem:$0x3FB5] =	sst s9;
	s0 =	simm.s32 @!p0 $0x0  }
0x12: {  	s1 =	sld [smem:$0x3F9B];
	s0 =	simm.s32 @p0 $0x1  }
0x13: {  	[smem:$0x3FB6] =	sst s0;
	s0 =	simm.s32 @!p1 $0x0  }
0x14: {  	s2 =	sld [smem:$0x3F9A];
	s0 =	simm.s32 @p1 $0x1  }
0x15: {  	[smem:$0x3FB7] =	sst s0;
	s0 =	simm.s32 @!p2 $0x0  }
0x16: {  	s3 =	sld [smem:$0x3FDB];
	s0 =	simm.s32 @p2 $0x1  }
0x17: {  	s4 =	simm.s32 $0x1BF5;
	[smem:$0x3FB9] =	sst s0  }
0x18: {  	s0 =	sld [smem:$0x3F9C];
	_ =	swait.ge [sflag:s4], $0x0  }
0x19: {  	s7 =	sld [smem:$0x3F9D]  }
0x1a: {  	s8 =	sadd.s32 $0xFFFFE003, lr  }
0x1b: {  	s9 =	sadd.s32 $0xFFFFFEF7, lr;
	s5 =	simm.s32 $0xFFFFFFFF;
	p2 =	slt.u32 s8, $0xFFFFF086  }
0x1c: {  	p1 =	slt.u32 s9, $0xF7A;
	s5 =	simm.s32 @!p2 $0x0  }
0x1d: {  	s5 =	simm.s32 @p1 $0x1;
	p0 =	seq.s32 s7, s2  }
0x1e: {  	s7 =	smul.u32 @!p0 $0xF7A, s2;
	p2 =	seq.s32 @!p0 s5, $0x0  }
0x1f: {  	s9 =	smul.u32 $0xF7A, s1;
	s8 =	simm.s32 @!p0 $0x1BF5;
	p2 =	por !p2, p0  }
0x20: {  	[sflag:s8] =	ssyncset.s32 @!p0 $0xFFFFF086;
	s6 =	sadd.s32 @!p0 s3, s7;
	s7 =	simm.s32 @!p0 $0x108  }
0x21: {  	s3 =	sadd.s32 s3, s9;
	s6 =	sadd.s32 @!p0 $0x88, s6;
	s7 =	simm.s32 @p2 $0x1082  }
0x22: {  	[simem:s7], [sflag:s8] =	dma.local @!p0 [hbm:s6], $0xF7A  }
0x23: {  	s9 =	sor.u32 $0xD0000000, s2;
	s6 =	simm.s32 $0x108;
	_ =	swait.ge @!p0 [sflag:s8], $0x0  }
0x24: {  	s3 =	sadd.s32 $0x88, s3;
	s6 =	simm.s32 @!p1 $0x1082;
	[sflag:s4] =	ssyncset.s32 $0xFFFFF086  }
0x25: {  	[simem:s6], [sflag:s4] =	dma.local [hbm:s3], $0xF7A  }
0x26: {  	[smem:$0x3F9D] =	sst s1;
	(tag) =	ssettag s2;
	_ =	strace s9  }
0x27: {  	s1 =	sld [smem:$0x3FAD]  }
0x28: {  	s2 =	sld [smem:$0x3FAE]  }
0x29: {  	s4 =	sld [smem:$0x3FB0]  }
0x2a: {  	p0 =	seq.s32 s5, $0x0;
	s5 =	sld [smem:$0x3FB1]  }
0x2b: {  	s6 =	sld [smem:$0x3FB2]  }
0x2c: {  	s7 =	sld [smem:$0x3FB3]  }
0x2d: {  	s3 =	simm.s32 $0x108;
	s8 =	sld [smem:$0x3FB4]  }
0x2e: {  	s3 =	simm.s32 @!p0 $0x1082;
	s9 =	sld [smem:$0x3FB5]  }
0x2f: {  	lr =	sadd.s32 s0, s3;
	s0 =	sld [smem:$0x3FAC]  }
0x30: {  	s3 =	sld [smem:$0x3FAF]  }
0x31: {  	[smem:$0x3FB8] =	sst s10  }
0x32: {  	s10 =	sld [smem:$0x3FB6];
	_ =	sdelay $0x3  }
0x33: {  	p0 =	seq.s32 s10, $0x1;
	s10 =	sld [smem:$0x3FB8];
	_ =	sdelay $0x3  }
0x34: {  	[smem:$0x3FB8] =	sst s10  }
0x35: {  	s10 =	sld [smem:$0x3FB7];
	_ =	sdelay $0x3  }
0x36: {  	p1 =	seq.s32 s10, $0x1;
	s10 =	sld [smem:$0x3FB8];
	_ =	sdelay $0x3  }
0x37: {  	[smem:$0x3FB8] =	sst s10  }
0x38: {  	s10 =	sld [smem:$0x3FB9]  }
0x39: {  	_ = 	snop;
	(pc) =	sbr.ind lr, $3  }
0x3a: {  	_ = 	snop  }
0x3b: {  	_ = 	snop  }
0x3c: {  	p2 =	seq.s32 s10, $0x1;
	s10 =	sld [smem:$0x3FB8]  }
0x3d: {  	_ =	shalt  }
0x3e: {  	_ =	shalt  }
0x3f: {  	_ =	shalt  }
0x40: {  	_ =	shalt  }
0x41: {  	_ =	shalt  }
0x42: {  	_ =	shalt  }
0x43: {  	_ =	shalt  }
0x44: {  	_ =	shalt  }
0x45: {  	_ =	shalt  }
0x46: {  	_ =	shalt  }
0x47: {  	_ =	shalt  }
0x48: {  	_ =	shalt  }
0x49: {  	_ =	shalt  }
0x4a: {  	_ =	shalt  }
0x4b: {  	_ =	shalt  }
0x4c: {  	_ =	shalt  }
0x4d: {  	_ =	shalt  }
0x4e: {  	_ =	shalt  }
0x4f: {  	_ =	shalt  }
0x50: {  	_ =	shalt  }
0x51: {  	_ =	shalt  }
0x52: {  	_ =	shalt  }
0x53: {  	_ =	shalt  }
0x54: {  	_ =	shalt  }
0x55: {  	_ =	shalt  }
0x56: {  	_ =	shalt  }
0x57: {  	_ =	shalt  }
0x58: {  	_ =	shalt  }
0x59: {  	_ =	shalt  }
0x5a: {  	_ =	shalt  }
0x5b: {  	_ =	shalt  }
0x5c: {  	_ =	shalt  }
0x5d: {  	_ =	shalt  }
0x5e: {  	_ =	shalt  }
0x5f: {  	_ =	shalt  }
0x60: {  	_ =	shalt  }
0x61: {  	_ =	shalt  }
0x62: {  	_ =	shalt  }
0x63: {  	_ =	shalt  }
0x64: {  	_ =	shalt  }
0x65: {  	_ =	shalt  }
0x66: {  	_ =	shalt  }
0x67: {  	_ =	shalt  }
0x68: {  	_ =	shalt  }
0x69: {  	_ =	shalt  }
0x6a: {  	_ =	shalt  }
0x6b: {  	_ =	shalt  }
0x6c: {  	_ =	shalt  }
0x6d: {  	_ =	shalt  }
0x6e: {  	_ =	shalt  }
0x6f: {  	_ =	shalt  }
0x70: {  	_ =	shalt  }
0x71: {  	_ =	shalt  }
0x72: {  	_ =	shalt  }
0x73: {  	_ =	shalt  }
0x74: {  	_ =	shalt  }
0x75: {  	_ =	shalt  }
0x76: {  	_ =	shalt  }
0x77: {  	_ =	shalt  }
0x78: {  	_ =	shalt  }
0x79: {  	_ =	shalt  }
0x7a: {  	_ =	shalt  }
0x7b: {  	_ =	shalt  }
0x7c: {  	_ =	shalt  }
0x7d: {  	_ =	shalt  }
0x7e: {  	_ =	shalt  }
0x7f: {  	_ =	shalt  }
0x80: {  	_ =	shalt  }
0x81: {  	_ =	shalt  }
0x82: {  	_ =	shalt  }
0x83: {  	_ =	shalt  }
0x84: {  	_ =	shalt  }
0x85: {  	_ =	shalt  }
0x86: {  	_ =	shalt  }
0x87: {  	_ =	shalt  }
.Lfunc_end0:
.L_simem_size_0:
called_computation.1_lowered:
.L_overlay_start_0:
0x88: {  	s2 =	sld [smem:$0x3FD9]  }
0x89: {  	s3 =	sld [smem:$0x3FFE];
	_ =	sdelay $0x1  }
0x8a: {  	s1 =	srdreg.scid  }
0x8b: {  	s0 =	sand.u32 $0x1, s1  }
0x8c: {  	s14 =	sshll.u32 s0, $0xA;
	s2 =	sadd.s32 s3, s2  }
0x8d: {  	s2 =	sadd.s32 s2, s14  }
0x8e: {  	[smem:$0x3FC4] =	sst s2  }
0x8f: {  	_ = 	snop  }
0x90: {  	s2 =	sld [smem:$0x3FD0];
	_ =	sdelay $0x2  }
0x91: {  	s15 =	simm.s32 $0xA;
	s4 =	simm.s32 $0x10  }
0x92: {  	[smem:s4], [sflag:s15] =	dma.local [hbm:s2], $0x1  }
0x93: {  	_ =	swait.eq [sflag:s15], $0x1  }
0x94: {  	[sflag:s15] =	ssyncset.done $0x0  }
0x95: {  	s16 =	sld [smem:$0x10];
	[sflag:s15] =	ssyncadd.s32 $0xFFFFFFFF  }
0x96: {  	s17 =	sld [smem:$0x11];
	(tm) =	ssettm $0x1  }
0x97: {  	s18 =	sld [smem:$0x3FFB];
	_ =	sdelay $0x3  }
0x98: {  	_ =	strace s18  }
0x99: {  	s4 =	sld [smem:$0x3FFC];
	_ =	sdelay $0x3  }
0x9a: {  	_ =	strace s4  }
0x9b: {  	s4 =	sld [smem:$0x3FFD];
	_ =	sdelay $0x3  }
0x9c: {  	_ =	strace s4  }
0x9d: {  	_ =	strace $0x8FFFFFFF  }
0x9e: {  	s19 =	sld [smem:$0x3FDB];
	_ =	sdelay $0x1  }
0x9f: {  	s5 =	simm.s32 $_scs_section_size  }
0xa0: {  	s6 =	simm.s32 $_size__tile_overlayer_lowered;
	s7 =	simm.s32 $_tile_overlayer_lowered  }
0xa1: {  	s22 =	simm.s32 $0x1BFF;
	s21 =	sshll.u32 s7, $0x1;
	s4 =	sadd.s32 s5, s19  }
0xa2: {  	s8 =	simm.s32 $0x0;
	s20 =	sshll.u32 s6, $0x1;
	s6 =	sadd.s32 s21, s4  }
0xa3: {  	[timem:s8], [sflag:s22] =	dma.local [hbm:s6], s20  }
0xa4: {  	_ =	swait.ge [sflag:s22], s20  }
0xa5: {  	s5 =	ssub.s32 $0x0, s20;
	[sflag:s22] =	ssyncset.done $0x0  }
0xa6: {  	[sflag:s22] =	ssyncadd.s32 s5;
	_ =	sdelay $0x1  }
0xa7: {  	s23 =	simm.s32 $0x1B8B  }
0xa8: {  	_ =	swait.ge [sflag:s23], $0x1  }
0xa9: {  	[sflag:s23] =	ssyncset.done $0x0  }
0xaa: {  	s25 =	simm.s32 $0x1B8E;
	s24 =	sld [smem:$0x3FFE];
	[sflag:s23] =	ssyncadd.s32 $0xFFFFFFFF  }
0xab: {  	s26 =	simm.s32 $execute0_lowered;
	[smem:$0x3FD2] =	sst s25  }
0xac: {  	s6 =	sshll.u32 s26, $0x1;
	_ =	strace $0x80000049;
	[dreg:$0x1] =	wrdreg $0xFFFFFFFF  }
0xad: {  	s28 =	simm.s32 $_size_execute0_lowered;
	s4 =	sadd.s32 s4, s6;
	[dreg:$0x0] =	wrdreg $0x0  }
0xae: {  	s6 =	sshll.u32 s28, $0x1;
	[dreg:$0x2] =	wrdreg s4  }
0xaf: {  	[dreg:$0x3] =	wrdreg s6  }
0xb0: {  	[dreg:$0x4] =	wrdreg $0xC0  }
0xb1: {  	_ =	task [dreg:s8], $0x5FFFF  }
0xb2: {  	[dreg:$0x1] =	wrdreg $0xFFFFFFFF  }
0xb3: {  	[dreg:$0x0] =	wrdreg $0x60  }
0xb4: {  	[dreg:$0x2] =	wrdreg s17  }
0xb5: {  	[dreg:$0x3] =	wrdreg s24  }
0xb6: {  	[dreg:$0x4] =	wrdreg s16  }
0xb7: {  	[dreg:$0x5] =	wrdreg $0x82000  }
0xb8: {  	[dreg:$0x6] =	wrdreg $0x9  }
0xb9: {  	_ =	task.clear_ibuf [dreg:s8], $0x7FFFF;
	_ =	strace $0x90000049  }
0xba: {  	s29 =	simm.s32 $0x9;
	_ =	strace $0x8000004B  }
0xbb: {  	_ =	swait.ge [sflag:s29], $0x1  }
0xbc: {  	[sflag:s29] =	ssyncadd.s32 $0xFFFFFFFF  }
0xbd: {  	_ =	strace $0x9000004B  }
0xbe: {  	_ =	sfence  }
0xbf: {  	s30 =	sld [smem:$0x0];
	_ =	sdelay $0x2  }
0xc0: {  	s31 =	sshll.u32 s1, $0xD;
	s1 =	sshrl.u32 s1, $0x2  }
0xc1: {  	s3 =	sand.u32 $0x4000, s31;
	s1 =	sadd.s32 s1, s30  }
0xc2: {  	s0 =	sor.u32 s3, s0;
	s1 =	sshll.u32 s1, $0x11  }
0xc3: {  	s0 =	sor.u32 s1, s0  }
0xc4: {  	s0 =	sadd.s32 $0x8F2B, s0  }
0xc5: {  	[sflag:s0] =	ssyncadd.remote.s32 $0x1  }
0xc6: {  	_ =	sfence.sel $0xFFFF  }
0xc7: {  	[dreg:$0x0] =	wrdreg $0xFFFFFFFF;
	(pc) =	sbr.abs _section_cstart, $3  }
0xc8: {  	[dreg:$0x1] =	wrdreg $0xFFFFFFFF  }
0xc9: {  	_ =	task.clear_ibuf [dreg:s8], $0x2FFFF;
	_ =	strace $0x9FFFFFFF  }
0xca: {  	(tm) =	ssettm $0x7FFFFFFF  }
0xcb: {  	_ =	shalt  }
tec
execute0_lowered:
.L_overlay_start_1:
0x0: {  	(tag) =	ssettag $0x1  }
0x1: {  	s1 =	rddreg [dreg:$0x0]  }
0x2: {  	s0 =	rddreg [dreg:$0x1]  }
0x3: {  	s2 =	rddreg [dreg:$0x2]  }
0x4: {  	s3 =	rddreg [dreg:$0x3];
	s4 =	simm.s32 $0x0  }
0x5: {  	s12 =	stileid.u32;
	s5 =	srdreg.scid;
	s28 =	simm.s32 $0x4200  }
0x6: {  	s29 =	simm.s32 $0x1;
	s30 =	simm.s32 $0x2;
	s6 =	smul.u32 $0x2780, s12  }
0x7: {  	s31 =	simm.s32 $0x0;
	[smem:$0x7FF] =	sst s4;
	s10 =	smul.u32 $0x4F000, s12  }
0x8: {  	s5 =	sand.u32 $0x1, s5;
	s21 =	sadd.s32 $0x1A00, s0;
	s11 =	smul.u32 $0x1E00, s12  }
0x9: {  	s16 =	sshll.u32 s12, $0x6;
	_ =	strace $0x8000004A;
	s7 =	smul.u32 $0x27800, s5  }
0xa: {  	s9 =	ssub.s32 $0x2, s5;
	p0 =	seq.s32 s5, $0x0;
	s8 =	sadd.s32 s6, s0  }
0xb: {  	s13 =	sshrl.u32 s9, $0x1;
	s15 =	sshrl.u32 s10, $0x2;
	s5 =	sadd.s32 $0x32000, s11  }
0xc: {  	s6 =	sadd.s32 s6, s7;
	s14 =	ssub.s32 s9, s13;
	s9 =	sadd.s32 s15, s3  }
0xd: {  	s7 =	smul.u32 $0x3200, s12;
	s8 =	sadd.s32 $0xBA00, s8;
	[dreg:$0x5] =	wrdreg s9  }
0xe: {  	s0 =	sadd.s32 s6, s0;
	[dreg:$0x6] =	wrdreg s8;
	s8 =	sor.u32 $0x1C03, s16  }
0xf: {  	s6 =	smax.u32 s14, $0x1;
	s5 =	smov.u32 @p0 s7;
	s7 =	simm.s32 $0x64  }
0x10: {  	s0 =	sadd.s32 $0x33200, s0;
	[dreg:$0xa] =	wrdreg s6;
	s5 =	sshrl.u32 s5, $0x3  }
0x11: {  	s7 =	simm.s32 @!p0 $0x3C;
	[dreg:$0x9] =	wrdreg s0;
	s17 =	sadd.s32 s21, s5  }
0x12: {  	s18 =	sadd.s32 s2, s5;
	s19 =	sshll.u32 s7, $0x4;
	s20 =	sadd.s32 $0x40, s5  }
0x13: {  	s25 =	sor.u32 $0x10, s5;
	s26 =	sor.u32 $0x20, s5;
	[dreg:$0x7] =	wrdreg s17  }
0x14: {  	[dreg:$0x8] =	wrdreg s18;
	s13 =	sadd.s32 $0xFFFFFFE0, s19;
	s22 =	sadd.s32 s20, s2  }
0x15: {  	s0 =	sadd.s32 s20, s21;
	s17 =	sor.u32 $0x30, s5;
	s18 =	sadd.s32 s25, s2  }
0x16: {  	s19 =	sadd.s32 s25, s21;
	s20 =	sadd.s32 s26, s2;
	s25 =	simm.s32 $0x4100  }
0x17: {  	s6 =	sadd.s32 $0xFFFFFFE0, s22;
	s15 =	sadd.s32 $0xFFFFFFE0, s0;
	s23 =	sadd.s32 s17, s2  }
0x18: {  	s24 =	sadd.s32 s17, s21;
	s21 =	sadd.s32 s26, s21;
	s22 =	simm.s32 $0x3  }
0x19: {  	s26 =	simm.s32 $0x4180;
	[dreg:$0xb] =	wrdreg s6;
	s16 =	sadd.s32 $0xFFFFFFE0, s23  }
0x1a: {  	s17 =	sadd.s32 $0xFFFFFFE0, s24;
	s23 =	simm.s32 $0x80;
	s24 =	simm.s32 $0x100  }
.LBB2_1:
0x1b: {  	s0 =	rddreg [dreg:$0x5]  }
0x1c: {  	s2 =	rddreg [dreg:$0x6];
	s0 =	sshrl.u32 s0, $0x3  }
0x1d: {  	[spmem:s0], [sflag:s8] =	dma.local [hbm:s2], $0x2780  }
0x1e: {  	_ =	swait.ge [sflag:s22], $0x2780  }
0x1f: {  	[sflag:s22] =	ssyncset.done $0x0  }
0x20: {  	[sflag:s22] =	ssyncadd.s32 $0xFFFFD880  }
0x21: {  	[bflag:$0x0] =	sbarrier.arrive $0xFFFF  }
0x22: {  	s12 =	rddreg [dreg:$0x7]  }
0x23: {  	[tilespmem:s4], [sflag:$0x3] =	stream.linear.gather [hbm4b:s12+s4], $0x80, $0x38;
	[tilespmem:$0x1BE00] =	vst v63  }
0x24: {  	_ =	swait.ge [sflag:s22], $0x80  }
0x25: {  	[sflag:s22] =	ssyncset.done $0x0  }
0x26: {  	p1 =	sne.s32 s13, $0x20;
	s14 =	rddreg [dreg:$0x8];
	[sflag:s22] =	ssyncadd.s32 $0xFFFFFF80  }
0x27: {  	[tilespmem:s23], [sflag:$0x3] =	stream.linear.gather [hbm4b:s14+s4], $0x80, $0x38;
	[tilespmem:$0x1BE00] =	vst v63  }
.Ltmp0:
0x28: {  	_ = 	snop;
	(pc) =	sbr.rel @!p1 .LBB2_2-.Ltmp0, $4  }
0x29: {  	_ =	swait.ge [sflag:s22], $0x80  }
0x2a: {  	[sflag:s22] =	ssyncset.done $0x0  }
0x2b: {  	s5 =	simm.s32 $0x20;
	p0 =	por $0x0, $0x0;
	[sflag:s22] =	ssyncadd.s32 $0xFFFFFF80  }
0x2c: {  	[tilespmem:s24], [sflag:$0x1] =	stream.indirect.gather [hbm4b:s1+s23], $0x80, s4, s23, $0xb8;
	[tilespmem:$0x1BE00] =	vst v63  }
0x2d: {  	s2 =	sadd.s32 $0x0, s19  }
0x2e: {  	[tilespmem:s25], [sflag:$0x3] =	stream.linear.gather [hbm4b:s2+s4], $0x80, $0x38;
	[tilespmem:$0x1BE00] =	vst v63  }
0x2f: {  	_ =	swait.ge [sflag:s22], $0x80  }
0x30: {  	[sflag:s22] =	ssyncset.done $0x0  }
0x31: {  	s14 =	sadd.s32 $0x0, s18;
	[sflag:s22] =	ssyncadd.s32 $0xFFFFFF80  }
0x32: {  	[tilespmem:s26], [sflag:$0x3] =	stream.linear.gather [hbm4b:s14+s4], $0x80, $0x38;
	[tilespmem:$0x1BE00] =	vst v63  }
0x33: {  	_ =	swait.ge [sflag:s22], $0x80  }
0x34: {  	[sflag:s22] =	ssyncset.done $0x0  }
0x35: {  	[sflag:s22] =	ssyncadd.s32 $0xFFFFFF80  }
0x36: {  	[tilespmem:s28], [sflag:$0x2] =	stream.indirect.gather [hbm4b:s1+s23], $0x80, s25, s23, $0xb8;
	[tilespmem:$0x1BE00] =	vst v63  }
0x37: {  	_ =	swait.ge [sflag:s29], $0x4000  }
0x38: {  	[sflag:s29] =	ssyncset.done $0x0  }
0x39: {  	[sflag:s29] =	ssyncadd.s32 $0xFFFFC000  }
0x3a: {  	[spmem:s3] =	stream.indirect.scatter.add.f32 [tilespmem:s24], [sflag:$0x3], $0x80, s23, s23, $0xb8;
	[tilespmem:$0x1BE00] =	vst v63  }
0x3b: {  	p0 =	sle.u32 s7, $0x2;
	_ =	swait.ge [sflag:s22], $0x4000  }
0x3c: {  	s2 =	sadd.s32 @!p0 $0x0, s21;
	[sflag:s22] =	ssyncset.done $0x0  }
0x3d: {  	s6 =	simm.s32 @!p0 $0x0;
	s9 =	simm.s32 @!p0 $0x3;
	[sflag:s22] =	ssyncadd.s32 $0xFFFFC000  }
0x3e: {  	[tilespmem:s6], [sflag:$0x3] =	stream.linear.gather @!p0 [hbm4b:s2+s6], $0x80, $0x38;
	[tilespmem:$0x1BE00] =	vst v63  }
0x3f: {  	_ =	swait.ge @!p0 [sflag:s9], $0x80  }
0x40: {  	[sflag:s9] =	ssyncset.done @!p0 $0x0  }
0x41: {  	s10 =	simm.s32 @!p0 $0x80;
	s2 =	sadd.s32 @!p0 $0x0, s20;
	[sflag:s9] =	ssyncadd.s32 @!p0 $0xFFFFFF80  }
0x42: {  	[tilespmem:s10], [sflag:$0x3] =	stream.linear.gather @!p0 [hbm4b:s2+s6], $0x80, $0x38;
	[tilespmem:$0x1BE00] =	vst v63  }
0x43: {  	_ =	swait.ge @!p0 [sflag:s9], $0x80  }
0x44: {  	[sflag:s9] =	ssyncset.done @!p0 $0x0  }
0x45: {  	p1 =	sne.s32 s13, $0x40;
	s2 =	simm.s32 @!p0 $0x100;
	[sflag:s9] =	ssyncadd.s32 @!p0 $0xFFFFFF80  }
0x46: {  	[tilespmem:s2], [sflag:$0x1] =	stream.indirect.gather @!p0 [hbm4b:s1+s10], $0x80, s6, s10, $0xb8;
	[tilespmem:$0x1BE00] =	vst v63  }
.Ltmp1:
0x47: {  	_ =	swait.ge [sflag:s30], $0x4000;
	(pc) =	sbr.rel @!p1 .LBB2_5-.Ltmp1, $4  }
0x48: {  	[sflag:s30] =	ssyncset.done $0x0  }
0x49: {  	s2 =	simm.s32 $0x40;
	[sflag:s30] =	ssyncadd.s32 $0xFFFFC000  }
0x4a: {  	[spmem:s3] =	stream.indirect.scatter.add.f32 [tilespmem:s28], [sflag:$0x3], $0x80, s26, s23, $0xb8;
	[tilespmem:$0x1BE00] =	vst v63  }
0x4b: {  	s6 =	simm.s32 $0x4;
	p0 =	por $0x1, $0x1;
	_ =	swait.ge [sflag:s22], $0x4000  }
.LBB2_4:
0x4c: {  	s9 =	sadd.s32 s5, s19  }
0x4d: {  	[sflag:s22] =	ssyncset.done $0x0;
	s10 =	smov.u32 s2;
	s2 =	sadd.s32 $0x20, s2  }
0x4e: {  	p1 =	sne.s32 s13, s2;
	[sflag:s22] =	ssyncadd.s32 $0xFFFFC000  }
0x4f: {  	[tilespmem:s25], [sflag:$0x3] =	stream.linear.gather [hbm4b:s9+s4], $0x80, $0x38;
	[tilespmem:$0x1BE00] =	vst v63  }
0x50: {  	_ =	swait.ge [sflag:s22], $0x80  }
0x51: {  	s9 =	sadd.s32 s5, s18;
	[sflag:s22] =	ssyncset.done $0x0  }
0x52: {  	[sflag:s22] =	ssyncadd.s32 $0xFFFFFF80  }
0x53: {  	[tilespmem:s26], [sflag:$0x3] =	stream.linear.gather [hbm4b:s9+s4], $0x80, $0x38;
	[tilespmem:$0x1BE00] =	vst v63  }
0x54: {  	_ =	swait.ge [sflag:s22], $0x80  }
0x55: {  	[sflag:s22] =	ssyncset.done $0x0  }
0x56: {  	[sflag:s22] =	ssyncadd.s32 $0xFFFFFF80  }
0x57: {  	[tilespmem:s28], [sflag:$0x2] =	stream.indirect.gather [hbm4b:s1+s23], $0x80, s25, s23, $0xb8;
	[tilespmem:$0x1BE00] =	vst v63  }
0x58: {  	_ =	swait.ge [sflag:s29], $0x4000  }
0x59: {  	[sflag:s29] =	ssyncset.done $0x0  }
0x5a: {  	[sflag:s29] =	ssyncadd.s32 $0xFFFFC000  }
0x5b: {  	[spmem:s3] =	stream.indirect.scatter.add.f32 [tilespmem:s24], [sflag:$0x3], $0x80, s23, s23, $0xb8;
	[tilespmem:$0x1BE00] =	vst v63  }
0x5c: {  	p2 =	sge.u32 s6, s7;
	_ =	swait.ge [sflag:s22], $0x4000  }
0x5d: {  	s11 =	simm.s32 @!p2 $0x0;
	s9 =	sadd.s32 @!p2 s5, s21;
	[sflag:s22] =	ssyncset.done $0x0  }
0x5e: {  	s12 =	simm.s32 @!p2 $0x3;
	[sflag:s22] =	ssyncadd.s32 $0xFFFFC000  }
0x5f: {  	[tilespmem:s11], [sflag:$0x3] =	stream.linear.gather @!p2 [hbm4b:s9+s11], $0x80, $0x38;
	[tilespmem:$0x1BE00] =	vst v63  }
0x60: {  	_ =	swait.ge @!p2 [sflag:s12], $0x80  }
0x61: {  	s14 =	simm.s32 @!p2 $0x80;
	s9 =	sadd.s32 @!p2 s5, s20;
	[sflag:s12] =	ssyncset.done @!p2 $0x0  }
0x62: {  	s5 =	smov.u32 s10;
	[sflag:s12] =	ssyncadd.s32 @!p2 $0xFFFFFF80  }
0x63: {  	[tilespmem:s14], [sflag:$0x3] =	stream.linear.gather @!p2 [hbm4b:s9+s11], $0x80, $0x38;
	[tilespmem:$0x1BE00] =	vst v63  }
0x64: {  	_ =	swait.ge @!p2 [sflag:s12], $0x80  }
0x65: {  	s9 =	simm.s32 @!p2 $0x100;
	[sflag:s12] =	ssyncset.done @!p2 $0x0  }
0x66: {  	[sflag:s12] =	ssyncadd.s32 @!p2 $0xFFFFFF80  }
0x67: {  	[tilespmem:s9], [sflag:$0x1] =	stream.indirect.gather @!p2 [hbm4b:s1+s14], $0x80, s11, s14, $0xb8;
	[tilespmem:$0x1BE00] =	vst v63  }
.Ltmp2:
0x68: {  	_ =	swait.ge [sflag:s30], $0x4000;
	(pc) =	sbr.rel @p1 .LBB2_4-.Ltmp2, $4  }
0x69: {  	[sflag:s30] =	ssyncset.done $0x0  }
0x6a: {  	[sflag:s30] =	ssyncadd.s32 $0xFFFFC000  }
0x6b: {  	[spmem:s3] =	stream.indirect.scatter.add.f32 [tilespmem:s28], [sflag:$0x3], $0x80, s26, s23, $0xb8;
	[tilespmem:$0x1BE00] =	vst v63  }
0x6c: {  	s6 =	sadd.s32 $0x2, s6;
	_ =	swait.ge [sflag:s22], $0x4000  }
.LBB2_5:
0x6d: {  	[sflag:s22] =	ssyncset.done @p0 $0x0  }
0x6e: {  	s9 =	sadd.s32 s5, s19;
	[sflag:s22] =	ssyncadd.s32 @p0 $0xFFFFC000  }
0x6f: {  	[tilespmem:s25], [sflag:$0x3] =	stream.linear.gather [hbm4b:s9+s4], $0x80, $0x38;
	[tilespmem:$0x1BE00] =	vst v63  }
0x70: {  	_ =	swait.ge [sflag:s22], $0x80  }
0x71: {  	[sflag:s22] =	ssyncset.done $0x0  }
0x72: {  	s14 =	sadd.s32 s5, s18;
	[sflag:s22] =	ssyncadd.s32 $0xFFFFFF80  }
0x73: {  	[tilespmem:s26], [sflag:$0x3] =	stream.linear.gather [hbm4b:s14+s4], $0x80, $0x38;
	[tilespmem:$0x1BE00] =	vst v63  }
0x74: {  	_ =	swait.ge [sflag:s22], $0x80  }
0x75: {  	[sflag:s22] =	ssyncset.done $0x0  }
0x76: {  	[sflag:s22] =	ssyncadd.s32 $0xFFFFFF80  }
0x77: {  	[tilespmem:s28], [sflag:$0x2] =	stream.indirect.gather [hbm4b:s1+s23], $0x80, s25, s23, $0xb8;
	[tilespmem:$0x1BE00] =	vst v63  }
0x78: {  	_ =	swait.ge [sflag:s29], $0x4000  }
0x79: {  	[sflag:s29] =	ssyncset.done $0x0  }
0x7a: {  	[sflag:s29] =	ssyncadd.s32 $0xFFFFC000  }
0x7b: {  	[spmem:s3] =	stream.indirect.scatter.add.f32 [tilespmem:s24], [sflag:$0x3], $0x80, s23, s23, $0xb8;
	[tilespmem:$0x1BE00] =	vst v63  }
0x7c: {  	p0 =	sge.u32 s6, s7;
	_ =	swait.ge [sflag:s22], $0x4000  }
0x7d: {  	s9 =	sadd.s32 @!p0 s5, s21;
	[sflag:s22] =	ssyncset.done $0x0  }
0x7e: {  	s10 =	simm.s32 @!p0 $0x0;
	s11 =	simm.s32 @!p0 $0x3;
	[sflag:s22] =	ssyncadd.s32 $0xFFFFC000  }
0x7f: {  	[tilespmem:s10], [sflag:$0x3] =	stream.linear.gather @!p0 [hbm4b:s9+s10], $0x80, $0x38;
	[tilespmem:$0x1BE00] =	vst v63  }
0x80: {  	_ =	swait.ge @!p0 [sflag:s11], $0x80  }
0x81: {  	[sflag:s11] =	ssyncset.done @!p0 $0x0  }
0x82: {  	s5 =	sadd.s32 @!p0 s5, s20;
	s9 =	simm.s32 @!p0 $0x80;
	[sflag:s11] =	ssyncadd.s32 @!p0 $0xFFFFFF80  }
0x83: {  	[tilespmem:s9], [sflag:$0x3] =	stream.linear.gather @!p0 [hbm4b:s5+s10], $0x80, $0x38;
	[tilespmem:$0x1BE00] =	vst v63  }
0x84: {  	_ =	swait.ge @!p0 [sflag:s11], $0x80  }
0x85: {  	[sflag:s11] =	ssyncset.done @!p0 $0x0  }
0x86: {  	s5 =	simm.s32 @!p0 $0x100;
	[sflag:s11] =	ssyncadd.s32 @!p0 $0xFFFFFF80  }
0x87: {  	[tilespmem:s5], [sflag:$0x1] =	stream.indirect.gather @!p0 [hbm4b:s1+s9], $0x80, s10, s9, $0xb8;
	[tilespmem:$0x1BE00] =	vst v63  }
0x88: {  	_ =	swait.ge [sflag:s30], $0x4000  }
0x89: {  	[sflag:s30] =	ssyncset.done $0x0  }
0x8a: {  	[sflag:s30] =	ssyncadd.s32 $0xFFFFC000  }
0x8b: {  	[spmem:s3] =	stream.indirect.scatter.add.f32 [tilespmem:s28], [sflag:$0x3], $0x80, s26, s23, $0xb8;
	[tilespmem:$0x1BE00] =	vst v63  }
0x8c: {  	_ =	swait.ge [sflag:s22], $0x4000  }
0x8d: {  	[sflag:s22] =	ssyncset.done $0x0  }
0x8e: {  	s9 =	sadd.s32 s2, s17;
	[sflag:s22] =	ssyncadd.s32 $0xFFFFC000  }
0x8f: {  	[tilespmem:s25], [sflag:$0x3] =	stream.linear.gather [hbm4b:s9+s4], $0x80, $0x38;
	[tilespmem:$0x1BE00] =	vst v63  }
0x90: {  	_ =	swait.ge [sflag:s22], $0x80  }
0x91: {  	[sflag:s22] =	ssyncset.done $0x0  }
0x92: {  	s10 =	sadd.s32 s2, s16;
	[sflag:s22] =	ssyncadd.s32 $0xFFFFFF80  }
0x93: {  	[tilespmem:s26], [sflag:$0x3] =	stream.linear.gather [hbm4b:s10+s4], $0x80, $0x38;
	[tilespmem:$0x1BE00] =	vst v63  }
0x94: {  	_ =	swait.ge [sflag:s22], $0x80  }
0x95: {  	[sflag:s22] =	ssyncset.done $0x0  }
0x96: {  	[sflag:s22] =	ssyncadd.s32 $0xFFFFFF80  }
0x97: {  	[tilespmem:s28], [sflag:$0x2] =	stream.indirect.gather [hbm4b:s1+s23], $0x80, s25, s23, $0xb8;
	[tilespmem:$0x1BE00] =	vst v63  }
0x98: {  	_ =	swait.ge [sflag:s29], $0x4000  }
0x99: {  	[sflag:s29] =	ssyncset.done $0x0  }
0x9a: {  	[sflag:s29] =	ssyncadd.s32 $0xFFFFC000  }
0x9b: {  	[spmem:s3] =	stream.indirect.scatter.add.f32 [tilespmem:s24], [sflag:$0x3], $0x80, s23, s23, $0xb8;
	[tilespmem:$0x1BE00] =	vst v63  }
0x9c: {  	s11 =	sadd.s32 $0x2, s6;
	_ =	swait.ge [sflag:s22], $0x4000  }
0x9d: {  	p0 =	sge.u32 s11, s7;
	[sflag:s22] =	ssyncset.done $0x0  }
0x9e: {  	s5 =	sadd.s32 @!p0 s2, s15;
	s6 =	simm.s32 @!p0 $0x0;
	[sflag:s22] =	ssyncadd.s32 $0xFFFFC000  }
0x9f: {  	[tilespmem:s6], [sflag:$0x3] =	stream.linear.gather @!p0 [hbm4b:s5+s6], $0x80, $0x38;
	[tilespmem:$0x1BE00] =	vst v63  }
0xa0: {  	s5 =	simm.s32 @!p0 $0x3  }
0xa1: {  	_ =	swait.ge @!p0 [sflag:s5], $0x80  }
0xa2: {  	[sflag:s5] =	ssyncset.done @!p0 $0x0;
	s9 =	rddreg [dreg:$0xb]  }
0xa3: {  	[sflag:s5] =	ssyncadd.s32 @!p0 $0xFFFFFF80;
	s2 =	sadd.s32 @!p0 s2, s9;
	s9 =	simm.s32 @!p0 $0x80  }
0xa4: {  	[tilespmem:s9], [sflag:$0x3] =	stream.linear.gather @!p0 [hbm4b:s2+s6], $0x80, $0x38;
	[tilespmem:$0x1BE00] =	vst v63  }
0xa5: {  	_ =	swait.ge @!p0 [sflag:s5], $0x80  }
0xa6: {  	[sflag:s5] =	ssyncset.done @!p0 $0x0  }
0xa7: {  	s2 =	simm.s32 @!p0 $0x100;
	[sflag:s5] =	ssyncadd.s32 @!p0 $0xFFFFFF80  }
0xa8: {  	[tilespmem:s2], [sflag:$0x1] =	stream.indirect.gather @!p0 [hbm4b:s1+s9], $0x80, s6, s9, $0xb8;
	[tilespmem:$0x1BE00] =	vst v63  }
0xa9: {  	_ =	swait.ge [sflag:s30], $0x4000  }
0xaa: {  	[sflag:s30] =	ssyncset.done $0x0  }
0xab: {  	[sflag:s30] =	ssyncadd.s32 $0xFFFFC000  }
0xac: {  	[spmem:s3] =	stream.indirect.scatter.add.f32 [tilespmem:s28], [sflag:$0x3], $0x80, s26, s23, $0xb8;
	[tilespmem:$0x1BE00] =	vst v63  }
0xad: {  	_ =	swait.ge [sflag:s22], $0x4000  }
0xae: {  	[sflag:s22] =	ssyncset.done $0x0  }
0xaf: {  	[sflag:s22] =	ssyncadd.s32 $0xFFFFC000  }
0xb0: {  	[bflag:$0x0] =	sbarrier.arrive $0xFFFF  }
0xb1: {  	s12 =	rddreg [dreg:$0x9]  }
0xb2: {  	[hbm:s12], [sflag:s8] =	dma.local [spmem:s0], $0x2780  }
0xb3: {  	_ =	swait.ge [sflag:s22], $0x2780  }
0xb4: {  	s31 =	sadd.s32 $0x1, s31;
	s14 =	rddreg [dreg:$0xa]  }
0xb5: {  	p0 =	sne.s32 s31, s14  }
.Ltmp3:
0xb6: {  	_ = 	snop;
	(pc) =	sbr.rel @p0 .LBB2_1-.Ltmp3, $4  }
.Ltmp4:
0xb7: {  	_ = 	snop;
	(pc) =	sbr.rel @!p0 .LBB2_6-.Ltmp4, $4  }
0xb8: {  	_ = 	snop  }
0xb9: {  	[sflag:s22] =	ssyncset.done $0x0  }
0xba: {  	[sflag:s22] =	ssyncadd.s32 $0xFFFFD880  }
0xbb: {  	_ = 	snop  }
.LBB2_2:
.Ltmp5:
0xbc: {  	(pc) =	sbr.rel .LBB2_5-.Ltmp5, $2  }
0xbd: {  	_ =	sdelay $0x2  }
0xbe: {  	s2 =	simm.s32 $0x20;
	s5 =	simm.s32 $0x0;
	s6 =	simm.s32 $0x2  }
.LBB2_6:
0xbf: {  	_ =	sfence.sel $0x180000  }
0xc0: {  	[bflag:$0x0] =	sbarrier.arrive $0xFFFF  }
0xc1: {  	_ =	strace $0x9000004A  }
0xc2: {  	s0 =	stileid.u32;
	[bflag:$0x2] =	sbarrier.arrive $0xFFFF  }
0xc3: {  	p0 =	sne.s32 s0, $0x0;
	s0 =	rddreg [dreg:$0x4]  }
0xc4: {  	s0 =	sadd.s32 @!p0 $0x100000, s0  }
0xc5: {  	[sflag:s0] =	ssyncadd.tile.s32 @!p0 $0x1;
	_ =	shalt  }
.Lfunc_end2:
_tile_overlayer_lowered:
.L_overlay_start_2:
0xc6: {  	(tag) =	ssettag $0x2  }
0xc7: {  	s0 =	rddreg [dreg:$0x0];
	s2 =	stileid.u32  }
0xc8: {  	s1 =	rddreg [dreg:$0x1];
	p0 =	sne.s32 s2, $0x0  }
0xc9: {  	s3 =	rddreg [dreg:$0x2];
	[bflag:$0x3] =	sbarrier.arrive $0xFFFF;
	s2 =	simm.s32 @!p0 $0x1C03  }
0xca: {  	[timem:s3], [sflag:s2] =	dma.local @!p0 [hbm:s0], s1  }
0xcb: {  	s0 =	simm.s32 @!p0 $0x3  }
0xcc: {  	_ =	swait.ge @!p0 [sflag:s0], s1  }
0xcd: {  	s1 =	ssub.s32 @!p0 $0x0, s1;
	[sflag:s0] =	ssyncset.done @!p0 $0x0  }
0xce: {  	[sflag:s0] =	ssyncadd.s32 @!p0 s1  }
0xcf: {  	[bflag:$0x3] =	sbarrier.arrive $0xFFFF  }
0xd0: {  	_ =	shalt  }

</sc_bundles>
